<compile_context>
chip_gen: v7x
topology: tpu7x:2x2x1
jax: 0.10.2.dev20260603
libtpu: 0.0.44.dev20260713+nightly
codegen_flags: <defaults>
</compile_context>

<pallas_src>
import functools

import jax
import jax.numpy as jnp
from jax import lax
from jax.experimental import pallas as pl
from jax.experimental.pallas import tpu as pltpu
from jax.experimental.pallas import tpu_sc as plsc

_B = 4
_T = 8192
_T1 = _T // 2
_C = 1024
_D = 64
_R = 2048
_U = _T1 - _R
_TO = _U + _T1

_BI = 512
_BJ = 256
_NI = _T1 // _BI
_NJ = _T1 // _BJ

_NCHUNK = _C // 128



def _match_body(a_ref, b_ref, max_ref, idx_ref, tmp_ref):
    ii = pl.program_id(1)

    a_blk = a_ref[0]
    @pl.when(ii == 0)
    def _prep():
        r_io = lax.broadcasted_iota(jnp.int32, (128, 128), 0)
        c_io = lax.broadcasted_iota(jnp.int32, (128, 128), 1)
        proj = (r_io == c_io + _D).astype(jnp.float32)
        tmp_ref[...] = lax.dot_general(
            b_ref[0], proj, (((1,), (0,)), ((), ())),
            preferred_element_type=jnp.float32)

    bfull = tmp_ref[...]
    st = lax.dot_general(bfull, a_blk, (((1,), (1,)), ((), ())),
                         preferred_element_type=jnp.float32)
    bmax = jnp.max(st, axis=0)
    jrow = lax.broadcasted_iota(jnp.int32, (_T1, _BI), 0)
    bidx = jnp.min(jnp.where(st == bmax[None, :], jrow, _T1), axis=0)
    lane = lax.broadcasted_iota(jnp.int32, (1, 1, 1, _BI), 3)
    kill = jnp.logical_and(ii == 0, lane == 0)
    max_ref[...] = jnp.where(kill, -jnp.inf, bmax.reshape(1, 1, 1, _BI))
    idx_ref[...] = bidx.reshape(1, 1, 1, _BI)


def _match(kr2):
    out = pl.pallas_call(
        _match_body,
        grid=(_B, _NI),
        in_specs=[
            pl.BlockSpec((1, _BI, 128), lambda bi, ii: (bi, ii, 0)),
            pl.BlockSpec((1, _T1, 128), lambda bi, ii: (bi, 0, 0)),
        ],
        out_specs=[
            pl.BlockSpec((1, 1, 1, _BI), lambda bi, ii: (bi, ii, 0, 0)),
            pl.BlockSpec((1, 1, 1, _BI), lambda bi, ii: (bi, ii, 0, 0)),
        ],
        out_shape=[
            jax.ShapeDtypeStruct((_B, _NI, 1, _BI), jnp.float32),
            jax.ShapeDtypeStruct((_B, _NI, 1, _BI), jnp.int32),
        ],
        scratch_shapes=[pltpu.VMEM((_T1, 128), jnp.float32)],
    )(kr2, kr2)
    return out[0].reshape(_B, _T1), out[1].reshape(_B, _T1)



_NC = 2
_NS = 16


def _merge_body(x3, unm_g, dsti_g, srcg_g, dsts_i, out_g, out3,
                idxb, rb, rb2, dit, sit, tit, oit, slab, sem0, sem1):
    cc = lax.axis_index("c")
    ss = lax.axis_index("s")
    wid = cc * _NS + ss

    pltpu.sync_copy(dsti_g.at[pl.ds(cc * 16, 16), ss], dit)
    pltpu.sync_copy(srcg_g.at[pl.ds(cc * 16, 16), ss], sit)
    pltpu.sync_copy(dsts_i.at[pl.ds(cc * 16, 16), ss], tit)
    pltpu.sync_copy(out_g.at[pl.ds(cc * 16, 16), ss], oit)

    b_un = wid // 8
    obase = b_un * (_TO * 8) + (wid % 8) * 2048
    pltpu.sync_copy(unm_g.at[wid], idxb)

    def _unm_round(q, carry):
        ca = pltpu.async_copy(x3.at[idxb.at[2 * q]], rb, sem0)
        cb = pltpu.async_copy(x3.at[idxb.at[2 * q + 1]], rb2, sem1)
        ca.wait()
        pltpu.sync_copy(rb, out3.at[pl.ds(obase + 2 * q * 128, 128)])
        cb.wait()
        pltpu.sync_copy(rb2, out3.at[pl.ds(obase + (2 * q + 1) * 128, 128)])
        return carry

    lax.fori_loop(0, 8, _unm_round, 0)

    def _dst_round(r, carry):
        p = r % 2
        ca = pltpu.async_copy(x3.at[dit.at[r, 0]], rb, sem0)
        cb = pltpu.async_copy(x3.at[dit.at[r, 1]], rb2, sem1)
        ca.wait()
        wa = pltpu.async_copy(rb, slab.at[p, pl.ds(ss * 256, 128)], sem0)
        cb.wait()
        wb = pltpu.async_copy(rb2, slab.at[p, pl.ds(ss * 256 + 128, 128)], sem1)
        wa.wait()
        wb.wait()
        plsc.subcore_barrier()

        pltpu.sync_copy(x3.at[sit.at[r]], rb)
        pltpu.sync_copy(rb, slab.at[p].at[tit.at[r]], add=True)
        plsc.subcore_barrier()

        ca = pltpu.async_copy(slab.at[p, pl.ds(ss * 256, 128)], rb, sem0)
        cb = pltpu.async_copy(slab.at[p, pl.ds(ss * 256 + 128, 128)], rb2, sem1)
        ca.wait()
        wa = pltpu.async_copy(rb, out3.at[oit.at[r, 0]], sem0)
        cb.wait()
        wb = pltpu.async_copy(rb2, out3.at[oit.at[r, 1]], sem1)
        wa.wait()
        wb.wait()
        return carry

    lax.fori_loop(0, 16, _dst_round, 0)


def _merge(x3, unm_g, dsti_g, srcg_g, dsts_i, out_g):
    merge = functools.partial(
        pl.kernel,
        out_type=jax.ShapeDtypeStruct((_B * _TO * 8, 128), jnp.float32),
        mesh=plsc.VectorSubcoreMesh(core_axis_name="c", subcore_axis_name="s"),
        scratch_types=[
            pltpu.VMEM((16, 128), jnp.int32),
            pltpu.VMEM((128, 128), jnp.float32),
            pltpu.VMEM((128, 128), jnp.float32),
            pltpu.VMEM((16, 2, 128), jnp.int32),
            pltpu.VMEM((16, 128), jnp.int32),
            pltpu.VMEM((16, 128), jnp.int32),
            pltpu.VMEM((16, 2, 128), jnp.int32),
            pltpu.VMEM_SHARED((2, _T1, 128), jnp.float32),
            pltpu.SemaphoreType.DMA,
            pltpu.SemaphoreType.DMA,
        ],
    )(_merge_body)
    return merge(x3, unm_g, dsti_g, srcg_g, dsts_i, out_g)



def _build_indices(node_idx, src_idx, unm_idx):
    i32 = jnp.int32
    dst_idx = jnp.take_along_axis(node_idx, src_idx, axis=1)

    b = jnp.arange(_B, dtype=i32)
    base = (b[:, None] * _T + 2 * unm_idx.astype(i32)) * 8
    ug = (base[:, :, None] + jnp.arange(8, dtype=i32)).reshape(32, 16, 128)

    tasks = jnp.arange(_NC * 16, dtype=i32)
    tb = tasks // _NCHUNK
    tc = tasks % _NCHUNK
    j = jnp.arange(_T1, dtype=i32)
    dsti = ((tb[:, None] * _T + 2 * j[None, :] + 1) * 8
            + tc[:, None]).reshape(32, 16, 2, 128)
    srcg = ((tb[:, None] * _T + 2 * src_idx[tb].astype(i32)) * 8
            + tc[:, None]).reshape(32, 16, 128)
    dsts = dst_idx[tb].astype(i32).reshape(32, 16, 128)
    outg = ((tb[:, None] * _TO + _U + j[None, :]) * 8
            + tc[:, None]).reshape(32, 16, 2, 128)
    return ug, dsti, srcg, dsts, outg


def kernel(k, x):
    node_max, node_idx = _match(k.reshape(_B, _T1, 128))
    order = jnp.argsort(node_max, axis=-1)[:, ::-1]
    src_idx = order[:, :_R]
    unm_idx = order[:, _R:]
    ug, dsti, srcg, dsts, outg = _build_indices(node_idx, src_idx, unm_idx)
    x3 = x.reshape(_B * _T * 8, 128)
    out3 = _merge(x3, ug, dsti, srcg, dsts, outg)
    return out3.reshape(_B, _TO, _C)

# --- scband reference (transcript-rebuilt; emitter-appended) ---
"""Pipeline reference for scband-bsm-83236466196837 (READ-ONLY COPY).

The authoritative reference and input builder live on the scoring server;
editing this copy changes nothing except your own understanding.
"""

import jax, jax.numpy as jnp
import numpy as np

R = 2048

def setup_inputs(seed: int = 0) -> dict:
    key = jax.random.key(seed)
    k1, k2 = jax.random.split(key)
    k = jax.random.normal(k1, (4, 8192, 64), dtype=jnp.float32)
    x = jax.random.normal(k2, (4, 8192, 1024), dtype=jnp.float32)
    return {"k": k, "x": x}

def reference(k, x):
    r = R
    # ---- bipartite soft matching (torch __init__) ----
    a = k[..., ::2, :]
    b = k[..., 1::2, :]
    scores = jnp.matmul(a, jnp.swapaxes(b, -1, -2))
    scores = scores.at[..., 0, :].set(-jnp.inf)
    node_max = jnp.max(scores, axis=-1)
    node_idx = jnp.argmax(scores, axis=-1)
    edge_idx = jnp.argsort(node_max, axis=-1)[..., ::-1][..., None]
    unm_idx = edge_idx[..., r:, :]
    src_idx = edge_idx[..., :r, :]
    dst_idx = jnp.take_along_axis(node_idx[..., None], src_idx, axis=-2)
    # ---- forward (merge) ----
    src = x[..., ::2, :]
    dst = x[..., 1::2, :]
    n, t1, c = src.shape
    unm = jnp.take_along_axis(src, jnp.broadcast_to(unm_idx, (n, t1 - r, c)), axis=-2)
    src_g = jnp.take_along_axis(src, jnp.broadcast_to(src_idx, (n, r, c)), axis=-2)
    def _scatter_add(d, idx, s):
        return d.at[idx].add(s)
    dst = jax.vmap(_scatter_add)(dst, dst_idx[..., 0], src_g)
    return jnp.concatenate([unm, dst], axis=-2)

if __name__ == "__main__":
    import jax
    _d = setup_inputs()
    print(jax.jit(kernel)(*tuple(_d.values())))

</pallas_src>

<mosaic_0001>
#map = affine_map<(d0, d1) -> (0, 0)>
#map1 = affine_map<(d0, d1) -> (0, 0, 0)>
#map2 = affine_map<(d0, d1) -> (0, 0, 0, 0)>
module attributes {stable_mosaic.version = 14 : i64} {
  func.func @_merge_body(%arg0: i32, %arg1: i32, %arg2: memref<262144x128xf32, #tpu.memory_space<hbm>>, %arg3: memref<32x16x128xi32, #tpu.memory_space<hbm>>, %arg4: memref<32x16x2x128xi32, #tpu.memory_space<hbm>>, %arg5: memref<32x16x128xi32, #tpu.memory_space<hbm>>, %arg6: memref<32x16x128xi32, #tpu.memory_space<hbm>>, %arg7: memref<32x16x2x128xi32, #tpu.memory_space<hbm>>, %arg8: memref<196608x128xf32, #tpu.memory_space<hbm>>, %arg9: memref<16x128xi32, #tpu.memory_space<vmem>>, %arg10: memref<128x128xf32, #tpu.memory_space<vmem>>, %arg11: memref<128x128xf32, #tpu.memory_space<vmem>>, %arg12: memref<16x2x128xi32, #tpu.memory_space<vmem>>, %arg13: memref<16x128xi32, #tpu.memory_space<vmem>>, %arg14: memref<16x128xi32, #tpu.memory_space<vmem>>, %arg15: memref<16x2x128xi32, #tpu.memory_space<vmem>>, %arg16: memref<2x4096x128xf32, #tpu.memory_space<vmem_shared>>, %arg17: memref<!tpu.dma_semaphore, #tpu.memory_space<semaphore_mem>>, %arg18: memref<!tpu.dma_semaphore, #tpu.memory_space<semaphore_mem>>) attributes {dimension_semantics = [#tpu.dimension_semantics<core_parallel>, #tpu.dimension_semantics<subcore_parallel>], iteration_bounds = array<i64: 2, 16>, scalar_prefetch = 0 : i64, scratch_operands = 10 : i64, tpu.core_type = #tpu.core_type<sc_vector_subcore>, window_params = [{transform_indices = #map}, {transform_indices = #map1}, {transform_indices = #map2}, {transform_indices = #map1}, {transform_indices = #map1}, {transform_indices = #map2}, {transform_indices = #map}]} {
    %mul3A = arith.constant 16 : i32
    %mul3A_0 = arith.muli %arg0, %mul3A : i32
    %add3A = arith.addi %mul3A_0, %arg1 : i32
    %mul3A_1 = arith.constant 16 : i32
    %mul3A_2 = arith.muli %arg0, %mul3A_1 : i32
    "tpu.region"() ({
      %run_scoped3A = tpu.sem_alloc : memref<!tpu.dma_semaphore, #tpu.memory_space<semaphore_mem>>
      %dma_start3A = arith.constant 0 : i32
      %dma_start3A_55 = arith.constant 0 : i32
      %dma_start3A_56 = tpu.memref_slice %arg4[%mul3A_2, %arg1, %dma_start3A, %dma_start3A_55] : memref<32x16x2x128xi32, #tpu.memory_space<hbm>> -> memref<16x1x2x128xi32, #tpu.memory_space<hbm>>
      %dma_start3A_57 = tpu.memref_squeeze %dma_start3A_56 : memref<16x1x2x128xi32, #tpu.memory_space<hbm>> -> memref<16x2x128xi32, #tpu.memory_space<hbm>>
      %dma_start3A_58 = arith.constant 0 : i32
      %dma_start3A_59 = arith.constant 0 : i32
      %dma_start3A_60 = tpu.memref_slice %arg4[%mul3A_2, %arg1, %dma_start3A_58, %dma_start3A_59] : memref<32x16x2x128xi32, #tpu.memory_space<hbm>> -> memref<16x1x2x128xi32, #tpu.memory_space<hbm>>
      %dma_start3A_61 = tpu.memref_squeeze %dma_start3A_60 : memref<16x1x2x128xi32, #tpu.memory_space<hbm>> -> memref<16x2x128xi32, #tpu.memory_space<hbm>>
      tpu.enqueue_dma source(%dma_start3A_61 : memref<16x2x128xi32, #tpu.memory_space<hbm>>) target(%arg12 : memref<16x2x128xi32, #tpu.memory_space<vmem>>) target_semaphore(%run_scoped3A : memref<!tpu.dma_semaphore, #tpu.memory_space<semaphore_mem>>)
      %dma_wait3A = arith.constant 0 : i32
      %dma_wait3A_62 = arith.constant 0 : i32
      %dma_wait3A_63 = tpu.memref_slice %arg4[%mul3A_2, %arg1, %dma_wait3A, %dma_wait3A_62] : memref<32x16x2x128xi32, #tpu.memory_space<hbm>> -> memref<16x1x2x128xi32, #tpu.memory_space<hbm>>
      %dma_wait3A_64 = tpu.memref_squeeze %dma_wait3A_63 : memref<16x1x2x128xi32, #tpu.memory_space<hbm>> -> memref<16x2x128xi32, #tpu.memory_space<hbm>>
      %dma_wait3A_65 = arith.constant 0 : i32
      %dma_wait3A_66 = arith.constant 0 : i32
      %dma_wait3A_67 = tpu.memref_slice %arg4[%mul3A_2, %arg1, %dma_wait3A_65, %dma_wait3A_66] : memref<32x16x2x128xi32, #tpu.memory_space<hbm>> -> memref<16x1x2x128xi32, #tpu.memory_space<hbm>>
      %dma_wait3A_68 = tpu.memref_squeeze %dma_wait3A_67 : memref<16x1x2x128xi32, #tpu.memory_space<hbm>> -> memref<16x2x128xi32, #tpu.memory_space<hbm>>
      tpu.wait_dma2 semaphore(%run_scoped3A : memref<!tpu.dma_semaphore, #tpu.memory_space<semaphore_mem>>) src(%dma_wait3A_68 : memref<16x2x128xi32, #tpu.memory_space<hbm>>) dst(%arg12 : memref<16x2x128xi32, #tpu.memory_space<vmem>>)
      tpu.yield
    }) : () -> ()
    %mul3A_3 = arith.constant 16 : i32
    %mul3A_4 = arith.muli %arg0, %mul3A_3 : i32
    "tpu.region"() ({
      %run_scoped3A = tpu.sem_alloc : memref<!tpu.dma_semaphore, #tpu.memory_space<semaphore_mem>>
      %dma_start3A = arith.constant 0 : i32
      %dma_start3A_55 = tpu.memref_slice %arg5[%mul3A_4, %arg1, %dma_start3A] : memref<32x16x128xi32, #tpu.memory_space<hbm>> -> memref<16x1x128xi32, #tpu.memory_space<hbm>>
      %dma_start3A_56 = tpu.memref_squeeze %dma_start3A_55 : memref<16x1x128xi32, #tpu.memory_space<hbm>> -> memref<16x128xi32, #tpu.memory_space<hbm>>
      %dma_start3A_57 = arith.constant 0 : i32
      %dma_start3A_58 = tpu.memref_slice %arg5[%mul3A_4, %arg1, %dma_start3A_57] : memref<32x16x128xi32, #tpu.memory_space<hbm>> -> memref<16x1x128xi32, #tpu.memory_space<hbm>>
      %dma_start3A_59 = tpu.memref_squeeze %dma_start3A_58 : memref<16x1x128xi32, #tpu.memory_space<hbm>> -> memref<16x128xi32, #tpu.memory_space<hbm>>
      tpu.enqueue_dma source(%dma_start3A_59 : memref<16x128xi32, #tpu.memory_space<hbm>>) target(%arg13 : memref<16x128xi32, #tpu.memory_space<vmem>>) target_semaphore(%run_scoped3A : memref<!tpu.dma_semaphore, #tpu.memory_space<semaphore_mem>>)
      %dma_wait3A = arith.constant 0 : i32
      %dma_wait3A_60 = tpu.memref_slice %arg5[%mul3A_4, %arg1, %dma_wait3A] : memref<32x16x128xi32, #tpu.memory_space<hbm>> -> memref<16x1x128xi32, #tpu.memory_space<hbm>>
      %dma_wait3A_61 = tpu.memref_squeeze %dma_wait3A_60 : memref<16x1x128xi32, #tpu.memory_space<hbm>> -> memref<16x128xi32, #tpu.memory_space<hbm>>
      %dma_wait3A_62 = arith.constant 0 : i32
      %dma_wait3A_63 = tpu.memref_slice %arg5[%mul3A_4, %arg1, %dma_wait3A_62] : memref<32x16x128xi32, #tpu.memory_space<hbm>> -> memref<16x1x128xi32, #tpu.memory_space<hbm>>
      %dma_wait3A_64 = tpu.memref_squeeze %dma_wait3A_63 : memref<16x1x128xi32, #tpu.memory_space<hbm>> -> memref<16x128xi32, #tpu.memory_space<hbm>>
      tpu.wait_dma2 semaphore(%run_scoped3A : memref<!tpu.dma_semaphore, #tpu.memory_space<semaphore_mem>>) src(%dma_wait3A_64 : memref<16x128xi32, #tpu.memory_space<hbm>>) dst(%arg13 : memref<16x128xi32, #tpu.memory_space<vmem>>)
      tpu.yield
    }) : () -> ()
    %mul3A_5 = arith.constant 16 : i32
    %mul3A_6 = arith.muli %arg0, %mul3A_5 : i32
    "tpu.region"() ({
      %run_scoped3A = tpu.sem_alloc : memref<!tpu.dma_semaphore, #tpu.memory_space<semaphore_mem>>
      %dma_start3A = arith.constant 0 : i32
      %dma_start3A_55 = tpu.memref_slice %arg6[%mul3A_6, %arg1, %dma_start3A] : memref<32x16x128xi32, #tpu.memory_space<hbm>> -> memref<16x1x128xi32, #tpu.memory_space<hbm>>
      %dma_start3A_56 = tpu.memref_squeeze %dma_start3A_55 : memref<16x1x128xi32, #tpu.memory_space<hbm>> -> memref<16x128xi32, #tpu.memory_space<hbm>>
      %dma_start3A_57 = arith.constant 0 : i32
      %dma_start3A_58 = tpu.memref_slice %arg6[%mul3A_6, %arg1, %dma_start3A_57] : memref<32x16x128xi32, #tpu.memory_space<hbm>> -> memref<16x1x128xi32, #tpu.memory_space<hbm>>
      %dma_start3A_59 = tpu.memref_squeeze %dma_start3A_58 : memref<16x1x128xi32, #tpu.memory_space<hbm>> -> memref<16x128xi32, #tpu.memory_space<hbm>>
      tpu.enqueue_dma source(%dma_start3A_59 : memref<16x128xi32, #tpu.memory_space<hbm>>) target(%arg14 : memref<16x128xi32, #tpu.memory_space<vmem>>) target_semaphore(%run_scoped3A : memref<!tpu.dma_semaphore, #tpu.memory_space<semaphore_mem>>)
      %dma_wait3A = arith.constant 0 : i32
      %dma_wait3A_60 = tpu.memref_slice %arg6[%mul3A_6, %arg1, %dma_wait3A] : memref<32x16x128xi32, #tpu.memory_space<hbm>> -> memref<16x1x128xi32, #tpu.memory_space<hbm>>
      %dma_wait3A_61 = tpu.memref_squeeze %dma_wait3A_60 : memref<16x1x128xi32, #tpu.memory_space<hbm>> -> memref<16x128xi32, #tpu.memory_space<hbm>>
      %dma_wait3A_62 = arith.constant 0 : i32
      %dma_wait3A_63 = tpu.memref_slice %arg6[%mul3A_6, %arg1, %dma_wait3A_62] : memref<32x16x128xi32, #tpu.memory_space<hbm>> -> memref<16x1x128xi32, #tpu.memory_space<hbm>>
      %dma_wait3A_64 = tpu.memref_squeeze %dma_wait3A_63 : memref<16x1x128xi32, #tpu.memory_space<hbm>> -> memref<16x128xi32, #tpu.memory_space<hbm>>
      tpu.wait_dma2 semaphore(%run_scoped3A : memref<!tpu.dma_semaphore, #tpu.memory_space<semaphore_mem>>) src(%dma_wait3A_64 : memref<16x128xi32, #tpu.memory_space<hbm>>) dst(%arg14 : memref<16x128xi32, #tpu.memory_space<vmem>>)
      tpu.yield
    }) : () -> ()
    %mul3A_7 = arith.constant 16 : i32
    %mul3A_8 = arith.muli %arg0, %mul3A_7 : i32
    "tpu.region"() ({
      %run_scoped3A = tpu.sem_alloc : memref<!tpu.dma_semaphore, #tpu.memory_space<semaphore_mem>>
      %dma_start3A = arith.constant 0 : i32
      %dma_start3A_55 = arith.constant 0 : i32
      %dma_start3A_56 = tpu.memref_slice %arg7[%mul3A_8, %arg1, %dma_start3A, %dma_start3A_55] : memref<32x16x2x128xi32, #tpu.memory_space<hbm>> -> memref<16x1x2x128xi32, #tpu.memory_space<hbm>>
      %dma_start3A_57 = tpu.memref_squeeze %dma_start3A_56 : memref<16x1x2x128xi32, #tpu.memory_space<hbm>> -> memref<16x2x128xi32, #tpu.memory_space<hbm>>
      %dma_start3A_58 = arith.constant 0 : i32
      %dma_start3A_59 = arith.constant 0 : i32
      %dma_start3A_60 = tpu.memref_slice %arg7[%mul3A_8, %arg1, %dma_start3A_58, %dma_start3A_59] : memref<32x16x2x128xi32, #tpu.memory_space<hbm>> -> memref<16x1x2x128xi32, #tpu.memory_space<hbm>>
      %dma_start3A_61 = tpu.memref_squeeze %dma_start3A_60 : memref<16x1x2x128xi32, #tpu.memory_space<hbm>> -> memref<16x2x128xi32, #tpu.memory_space<hbm>>
      tpu.enqueue_dma source(%dma_start3A_61 : memref<16x2x128xi32, #tpu.memory_space<hbm>>) target(%arg15 : memref<16x2x128xi32, #tpu.memory_space<vmem>>) target_semaphore(%run_scoped3A : memref<!tpu.dma_semaphore, #tpu.memory_space<semaphore_mem>>)
      %dma_wait3A = arith.constant 0 : i32
      %dma_wait3A_62 = arith.constant 0 : i32
      %dma_wait3A_63 = tpu.memref_slice %arg7[%mul3A_8, %arg1, %dma_wait3A, %dma_wait3A_62] : memref<32x16x2x128xi32, #tpu.memory_space<hbm>> -> memref<16x1x2x128xi32, #tpu.memory_space<hbm>>
      %dma_wait3A_64 = tpu.memref_squeeze %dma_wait3A_63 : memref<16x1x2x128xi32, #tpu.memory_space<hbm>> -> memref<16x2x128xi32, #tpu.memory_space<hbm>>
      %dma_wait3A_65 = arith.constant 0 : i32
      %dma_wait3A_66 = arith.constant 0 : i32
      %dma_wait3A_67 = tpu.memref_slice %arg7[%mul3A_8, %arg1, %dma_wait3A_65, %dma_wait3A_66] : memref<32x16x2x128xi32, #tpu.memory_space<hbm>> -> memref<16x1x2x128xi32, #tpu.memory_space<hbm>>
      %dma_wait3A_68 = tpu.memref_squeeze %dma_wait3A_67 : memref<16x1x2x128xi32, #tpu.memory_space<hbm>> -> memref<16x2x128xi32, #tpu.memory_space<hbm>>
      tpu.wait_dma2 semaphore(%run_scoped3A : memref<!tpu.dma_semaphore, #tpu.memory_space<semaphore_mem>>) src(%dma_wait3A_68 : memref<16x2x128xi32, #tpu.memory_space<hbm>>) dst(%arg15 : memref<16x2x128xi32, #tpu.memory_space<vmem>>)
      tpu.yield
    }) : () -> ()
    %jit3A = arith.constant 8 : i32
    %div3A = arith.divsi %add3A, %jit3A : i32
    %sign3A = arith.constant 0 : i32
    %sign3A_9 = arith.cmpi sgt, %add3A, %sign3A : i32
    %sign3A_10 = arith.extui %sign3A_9 : i1 to i32
    %sign3A_11 = arith.constant 0 : i32
    %sign3A_12 = arith.cmpi slt, %add3A, %sign3A_11 : i32
    %sign3A_13 = arith.extui %sign3A_12 : i1 to i32
    %sign3A_14 = arith.subi %sign3A_10, %sign3A_13 : i32
    %sign3A_15 = arith.constant 0 : i32
    %sign3A_16 = arith.cmpi sgt, %jit3A, %sign3A_15 : i32
    %sign3A_17 = arith.extui %sign3A_16 : i1 to i32
    %sign3A_18 = arith.constant 0 : i32
    %sign3A_19 = arith.cmpi slt, %jit3A, %sign3A_18 : i32
    %sign3A_20 = arith.extui %sign3A_19 : i1 to i32
    %sign3A_21 = arith.subi %sign3A_17, %sign3A_20 : i32
    %ne3A = arith.cmpi ne, %sign3A_14, %sign3A_21 : i32
    %rem3A = arith.remsi %add3A, %jit3A : i32
    %ne3A_22 = arith.constant 0 : i32
    %ne3A_23 = arith.cmpi ne, %rem3A, %ne3A_22 : i32
    %and3A = arith.andi %ne3A, %ne3A_23 : i1
    %sub3A = arith.constant 1 : i32
    %sub3A_24 = arith.subi %div3A, %sub3A : i32
    %select_n3A = arith.select %and3A, %sub3A_24, %div3A : i32
    %mul3A_25 = arith.constant 49152 : i32
    %mul3A_26 = arith.muli %select_n3A, %mul3A_25 : i32
    %jit3A_27 = arith.constant 8 : i32
    %eq3A = arith.constant 0 : i32
    %eq3A_28 = arith.cmpi eq, %jit3A_27, %eq3A : i32
    %jit3A_29 = arith.constant 1 : i32
    %select_n3A_30 = arith.select %eq3A_28, %jit3A_29, %jit3A_27 : i32
    %rem3A_31 = arith.remsi %add3A, %select_n3A_30 : i32
    %ne3A_32 = arith.constant 0 : i32
    %ne3A_33 = arith.cmpi ne, %rem3A_31, %ne3A_32 : i32
    %lt3A = arith.constant 0 : i32
    %lt3A_34 = arith.cmpi slt, %rem3A_31, %lt3A : i32
    %lt3A_35 = arith.constant 0 : i32
    %lt3A_36 = arith.cmpi slt, %select_n3A_30, %lt3A_35 : i32
    %ne3A_37 = arith.xori %lt3A_34, %lt3A_36 : i1
    %and3A_38 = arith.andi %ne3A_37, %ne3A_33 : i1
    %add3A_39 = arith.addi %rem3A_31, %select_n3A_30 : i32
    %select_n3A_40 = arith.select %and3A_38, %add3A_39, %rem3A_31 : i32
    %mul3A_41 = arith.constant 2048 : i32
    %mul3A_42 = arith.muli %select_n3A_40, %mul3A_41 : i32
    %add3A_43 = arith.addi %mul3A_26, %mul3A_42 : i32
    "tpu.region"() ({
      %run_scoped3A = tpu.sem_alloc : memref<!tpu.dma_semaphore, #tpu.memory_space<semaphore_mem>>
      %dma_start3A = arith.constant 0 : i32
      %dma_start3A_55 = arith.constant 0 : i32
      %dma_start3A_56 = tpu.memref_slice %arg3[%add3A, %dma_start3A, %dma_start3A_55] : memref<32x16x128xi32, #tpu.memory_space<hbm>> -> memref<1x16x128xi32, #tpu.memory_space<hbm>>
      %dma_start3A_57 = tpu.memref_squeeze %dma_start3A_56 : memref<1x16x128xi32, #tpu.memory_space<hbm>> -> memref<16x128xi32, #tpu.memory_space<hbm>>
      %dma_start3A_58 = arith.constant 0 : i32
      %dma_start3A_59 = arith.constant 0 : i32
      %dma_start3A_60 = tpu.memref_slice %arg3[%add3A, %dma_start3A_58, %dma_start3A_59] : memref<32x16x128xi32, #tpu.memory_space<hbm>> -> memref<1x16x128xi32, #tpu.memory_space<hbm>>
      %dma_start3A_61 = tpu.memref_squeeze %dma_start3A_60 : memref<1x16x128xi32, #tpu.memory_space<hbm>> -> memref<16x128xi32, #tpu.memory_space<hbm>>
      tpu.enqueue_dma source(%dma_start3A_61 : memref<16x128xi32, #tpu.memory_space<hbm>>) target(%arg9 : memref<16x128xi32, #tpu.memory_space<vmem>>) target_semaphore(%run_scoped3A : memref<!tpu.dma_semaphore, #tpu.memory_space<semaphore_mem>>)
      %dma_wait3A = arith.constant 0 : i32
      %dma_wait3A_62 = arith.constant 0 : i32
      %dma_wait3A_63 = tpu.memref_slice %arg3[%add3A, %dma_wait3A, %dma_wait3A_62] : memref<32x16x128xi32, #tpu.memory_space<hbm>> -> memref<1x16x128xi32, #tpu.memory_space<hbm>>
      %dma_wait3A_64 = tpu.memref_squeeze %dma_wait3A_63 : memref<1x16x128xi32, #tpu.memory_space<hbm>> -> memref<16x128xi32, #tpu.memory_space<hbm>>
      %dma_wait3A_65 = arith.constant 0 : i32
      %dma_wait3A_66 = arith.constant 0 : i32
      %dma_wait3A_67 = tpu.memref_slice %arg3[%add3A, %dma_wait3A_65, %dma_wait3A_66] : memref<32x16x128xi32, #tpu.memory_space<hbm>> -> memref<1x16x128xi32, #tpu.memory_space<hbm>>
      %dma_wait3A_68 = tpu.memref_squeeze %dma_wait3A_67 : memref<1x16x128xi32, #tpu.memory_space<hbm>> -> memref<16x128xi32, #tpu.memory_space<hbm>>
      tpu.wait_dma2 semaphore(%run_scoped3A : memref<!tpu.dma_semaphore, #tpu.memory_space<semaphore_mem>>) src(%dma_wait3A_68 : memref<16x128xi32, #tpu.memory_space<hbm>>) dst(%arg9 : memref<16x128xi32, #tpu.memory_space<vmem>>)
      tpu.yield
    }) : () -> ()
    %scan3A = arith.constant 0 : i32
    %scan3A_44 = arith.constant 0 : i32
    %scan3A_45 = arith.constant 8 : i32
    %scan3A_46 = arith.addi %scan3A_44, %scan3A_45 : i32
    %scan3A_47 = arith.constant 1 : i32
    scf.for %scan3A_55 = %scan3A_44 to %scan3A_46 step %scan3A_47  : i32 {
      %mul3A_56 = arith.constant 2 : i32
      %mul3A_57 = arith.muli %mul3A_56, %scan3A_55 : i32
      %dma_start3A = arith.constant 0 : i32
      %dma_start3A_58 = tpu.memref_slice %arg9[%mul3A_57, %dma_start3A] : memref<16x128xi32, #tpu.memory_space<vmem>> -> memref<1x128xi32, #tpu.memory_space<vmem>>
      %dma_start3A_59 = tpu.memref_squeeze %dma_start3A_58 : memref<1x128xi32, #tpu.memory_space<vmem>> -> memref<128xi32, #tpu.memory_space<vmem>>
      %dma_start3A_60 = arith.constant 0 : i32
      %dma_start3A_61 = arith.constant 0 : i32
      %dma_start3A_62 = tpu.memref_slice %arg2[%dma_start3A_60, %dma_start3A_61] : memref<262144x128xf32, #tpu.memory_space<hbm>> -> memref<262144x128xf32, #tpu.memory_space<hbm>>
      tpu.enqueue_indirect_dma source(%dma_start3A_62 : memref<262144x128xf32, #tpu.memory_space<hbm>>) target(%arg10 : memref<128x128xf32, #tpu.memory_space<vmem>>) offsets(%dma_start3A_59 : memref<128xi32, #tpu.memory_space<vmem>>) semaphore(%arg17 : memref<!tpu.dma_semaphore, #tpu.memory_space<semaphore_mem>>)
      %mul3A_63 = arith.constant 2 : i32
      %mul3A_64 = arith.muli %mul3A_63, %scan3A_55 : i32
      %add3A_65 = arith.constant 1 : i32
      %add3A_66 = arith.addi %mul3A_64, %add3A_65 : i32
      %dma_start3A_67 = arith.constant 0 : i32
      %dma_start3A_68 = tpu.memref_slice %arg9[%add3A_66, %dma_start3A_67] : memref<16x128xi32, #tpu.memory_space<vmem>> -> memref<1x128xi32, #tpu.memory_space<vmem>>
      %dma_start3A_69 = tpu.memref_squeeze %dma_start3A_68 : memref<1x128xi32, #tpu.memory_space<vmem>> -> memref<128xi32, #tpu.memory_space<vmem>>
      %dma_start3A_70 = arith.constant 0 : i32
      %dma_start3A_71 = arith.constant 0 : i32
      %dma_start3A_72 = tpu.memref_slice %arg2[%dma_start3A_70, %dma_start3A_71] : memref<262144x128xf32, #tpu.memory_space<hbm>> -> memref<262144x128xf32, #tpu.memory_space<hbm>>
      tpu.enqueue_indirect_dma source(%dma_start3A_72 : memref<262144x128xf32, #tpu.memory_space<hbm>>) target(%arg11 : memref<128x128xf32, #tpu.memory_space<vmem>>) offsets(%dma_start3A_69 : memref<128xi32, #tpu.memory_space<vmem>>) semaphore(%arg18 : memref<!tpu.dma_semaphore, #tpu.memory_space<semaphore_mem>>)
      %dma_wait3A = arith.constant 0 : i32
      %dma_wait3A_73 = tpu.memref_slice %arg9[%mul3A_57, %dma_wait3A] : memref<16x128xi32, #tpu.memory_space<vmem>> -> memref<1x128xi32, #tpu.memory_space<vmem>>
      %dma_wait3A_74 = tpu.memref_squeeze %dma_wait3A_73 : memref<1x128xi32, #tpu.memory_space<vmem>> -> memref<128xi32, #tpu.memory_space<vmem>>
      %dma_wait3A_75 = arith.constant 0 : i32
      %dma_wait3A_76 = arith.constant 0 : i32
      %dma_wait3A_77 = tpu.memref_slice %arg2[%dma_wait3A_75, %dma_wait3A_76] : memref<262144x128xf32, #tpu.memory_space<hbm>> -> memref<262144x128xf32, #tpu.memory_space<hbm>>
      tpu.wait_indirect_dma semaphore(%arg17 : memref<!tpu.dma_semaphore, #tpu.memory_space<semaphore_mem>>) src(%dma_wait3A_77 : memref<262144x128xf32, #tpu.memory_space<hbm>>) dst(%arg10 : memref<128x128xf32, #tpu.memory_space<vmem>>)
      %mul3A_78 = arith.constant 2 : i32
      %mul3A_79 = arith.muli %mul3A_78, %scan3A_55 : i32
      %mul3A_80 = arith.constant 128 : i32
      %mul3A_81 = arith.muli %mul3A_79, %mul3A_80 : i32
      %add3A_82 = arith.addi %add3A_43, %mul3A_81 : i32
      "tpu.region"() ({
        %run_scoped3A = tpu.sem_alloc : memref<!tpu.dma_semaphore, #tpu.memory_space<semaphore_mem>>
        %dma_start3A_96 = arith.constant 0 : i32
        %dma_start3A_97 = tpu.memref_slice %arg8[%add3A_82, %dma_start3A_96] : memref<196608x128xf32, #tpu.memory_space<hbm>> -> memref<128x128xf32, #tpu.memory_space<hbm>>
        %dma_start3A_98 = arith.constant 0 : i32
        %dma_start3A_99 = tpu.memref_slice %arg8[%add3A_82, %dma_start3A_98] : memref<196608x128xf32, #tpu.memory_space<hbm>> -> memref<128x128xf32, #tpu.memory_space<hbm>>
        tpu.enqueue_dma source(%arg10 : memref<128x128xf32, #tpu.memory_space<vmem>>) target(%dma_start3A_99 : memref<128x128xf32, #tpu.memory_space<hbm>>) target_semaphore(%run_scoped3A : memref<!tpu.dma_semaphore, #tpu.memory_space<semaphore_mem>>)
        %dma_wait3A_100 = arith.constant 0 : i32
        %dma_wait3A_101 = tpu.memref_slice %arg8[%add3A_82, %dma_wait3A_100] : memref<196608x128xf32, #tpu.memory_space<hbm>> -> memref<128x128xf32, #tpu.memory_space<hbm>>
        %dma_wait3A_102 = arith.constant 0 : i32
        %dma_wait3A_103 = tpu.memref_slice %arg8[%add3A_82, %dma_wait3A_102] : memref<196608x128xf32, #tpu.memory_space<hbm>> -> memref<128x128xf32, #tpu.memory_space<hbm>>
        tpu.wait_dma2 semaphore(%run_scoped3A : memref<!tpu.dma_semaphore, #tpu.memory_space<semaphore_mem>>) src(%arg10 : memref<128x128xf32, #tpu.memory_space<vmem>>) dst(%dma_wait3A_103 : memref<128x128xf32, #tpu.memory_space<hbm>>)
        tpu.yield
      }) : () -> ()
      %dma_wait3A_83 = arith.constant 0 : i32
      %dma_wait3A_84 = tpu.memref_slice %arg9[%add3A_66, %dma_wait3A_83] : memref<16x128xi32, #tpu.memory_space<vmem>> -> memref<1x128xi32, #tpu.memory_space<vmem>>
      %dma_wait3A_85 = tpu.memref_squeeze %dma_wait3A_84 : memref<1x128xi32, #tpu.memory_space<vmem>> -> memref<128xi32, #tpu.memory_space<vmem>>
      %dma_wait3A_86 = arith.constant 0 : i32
      %dma_wait3A_87 = arith.constant 0 : i32
      %dma_wait3A_88 = tpu.memref_slice %arg2[%dma_wait3A_86, %dma_wait3A_87] : memref<262144x128xf32, #tpu.memory_space<hbm>> -> memref<262144x128xf32, #tpu.memory_space<hbm>>
      tpu.wait_indirect_dma semaphore(%arg18 : memref<!tpu.dma_semaphore, #tpu.memory_space<semaphore_mem>>) src(%dma_wait3A_88 : memref<262144x128xf32, #tpu.memory_space<hbm>>) dst(%arg11 : memref<128x128xf32, #tpu.memory_space<vmem>>)
      %mul3A_89 = arith.constant 2 : i32
      %mul3A_90 = arith.muli %mul3A_89, %scan3A_55 : i32
      %add3A_91 = arith.constant 1 : i32
      %add3A_92 = arith.addi %mul3A_90, %add3A_91 : i32
      %mul3A_93 = arith.constant 128 : i32
      %mul3A_94 = arith.muli %add3A_92, %mul3A_93 : i32
      %add3A_95 = arith.addi %add3A_43, %mul3A_94 : i32
      "tpu.region"() ({
        %run_scoped3A = tpu.sem_alloc : memref<!tpu.dma_semaphore, #tpu.memory_space<semaphore_mem>>
        %dma_start3A_96 = arith.constant 0 : i32
        %dma_start3A_97 = tpu.memref_slice %arg8[%add3A_95, %dma_start3A_96] : memref<196608x128xf32, #tpu.memory_space<hbm>> -> memref<128x128xf32, #tpu.memory_space<hbm>>
        %dma_start3A_98 = arith.constant 0 : i32
        %dma_start3A_99 = tpu.memref_slice %arg8[%add3A_95, %dma_start3A_98] : memref<196608x128xf32, #tpu.memory_space<hbm>> -> memref<128x128xf32, #tpu.memory_space<hbm>>
        tpu.enqueue_dma source(%arg11 : memref<128x128xf32, #tpu.memory_space<vmem>>) target(%dma_start3A_99 : memref<128x128xf32, #tpu.memory_space<hbm>>) target_semaphore(%run_scoped3A : memref<!tpu.dma_semaphore, #tpu.memory_space<semaphore_mem>>)
        %dma_wait3A_100 = arith.constant 0 : i32
        %dma_wait3A_101 = tpu.memref_slice %arg8[%add3A_95, %dma_wait3A_100] : memref<196608x128xf32, #tpu.memory_space<hbm>> -> memref<128x128xf32, #tpu.memory_space<hbm>>
        %dma_wait3A_102 = arith.constant 0 : i32
        %dma_wait3A_103 = tpu.memref_slice %arg8[%add3A_95, %dma_wait3A_102] : memref<196608x128xf32, #tpu.memory_space<hbm>> -> memref<128x128xf32, #tpu.memory_space<hbm>>
        tpu.wait_dma2 semaphore(%run_scoped3A : memref<!tpu.dma_semaphore, #tpu.memory_space<semaphore_mem>>) src(%arg11 : memref<128x128xf32, #tpu.memory_space<vmem>>) dst(%dma_wait3A_103 : memref<128x128xf32, #tpu.memory_space<hbm>>)
        tpu.yield
      }) : () -> ()
    }
    %scan3A_48 = arith.constant 8 : i32
    %scan3A_49 = arith.constant 0 : i32
    %scan3A_50 = arith.constant 0 : i32
    %scan3A_51 = arith.constant 16 : i32
    %scan3A_52 = arith.addi %scan3A_50, %scan3A_51 : i32
    %scan3A_53 = arith.constant 1 : i32
    scf.for %scan3A_55 = %scan3A_50 to %scan3A_52 step %scan3A_53  : i32 {
      %jit3A_56 = arith.constant 2 : i32
      %eq3A_57 = arith.constant 0 : i32
      %eq3A_58 = arith.cmpi eq, %jit3A_56, %eq3A_57 : i32
      %jit3A_59 = arith.constant 1 : i32
      %select_n3A_60 = arith.select %eq3A_58, %jit3A_59, %jit3A_56 : i32
      %rem3A_61 = arith.remsi %scan3A_55, %select_n3A_60 : i32
      %ne3A_62 = arith.constant 0 : i32
      %ne3A_63 = arith.cmpi ne, %rem3A_61, %ne3A_62 : i32
      %lt3A_64 = arith.constant 0 : i32
      %lt3A_65 = arith.cmpi slt, %rem3A_61, %lt3A_64 : i32
      %lt3A_66 = arith.constant 0 : i32
      %lt3A_67 = arith.cmpi slt, %select_n3A_60, %lt3A_66 : i32
      %ne3A_68 = arith.xori %lt3A_65, %lt3A_67 : i1
      %and3A_69 = arith.andi %ne3A_68, %ne3A_63 : i1
      %add3A_70 = arith.addi %rem3A_61, %select_n3A_60 : i32
      %select_n3A_71 = arith.select %and3A_69, %add3A_70, %rem3A_61 : i32
      %dma_start3A = arith.constant 0 : i32
      %dma_start3A_72 = arith.constant 0 : i32
      %dma_start3A_73 = tpu.memref_slice %arg12[%scan3A_55, %dma_start3A, %dma_start3A_72] : memref<16x2x128xi32, #tpu.memory_space<vmem>> -> memref<1x1x128xi32, #tpu.memory_space<vmem>>
      %dma_start3A_74 = tpu.memref_squeeze %dma_start3A_73 : memref<1x1x128xi32, #tpu.memory_space<vmem>> -> memref<128xi32, #tpu.memory_space<vmem>>
      %dma_start3A_75 = arith.constant 0 : i32
      %dma_start3A_76 = arith.constant 0 : i32
      %dma_start3A_77 = tpu.memref_slice %arg2[%dma_start3A_75, %dma_start3A_76] : memref<262144x128xf32, #tpu.memory_space<hbm>> -> memref<262144x128xf32, #tpu.memory_space<hbm>>
      tpu.enqueue_indirect_dma source(%dma_start3A_77 : memref<262144x128xf32, #tpu.memory_space<hbm>>) target(%arg10 : memref<128x128xf32, #tpu.memory_space<vmem>>) offsets(%dma_start3A_74 : memref<128xi32, #tpu.memory_space<vmem>>) semaphore(%arg17 : memref<!tpu.dma_semaphore, #tpu.memory_space<semaphore_mem>>)
      %dma_start3A_78 = arith.constant 1 : i32
      %dma_start3A_79 = arith.constant 0 : i32
      %dma_start3A_80 = tpu.memref_slice %arg12[%scan3A_55, %dma_start3A_78, %dma_start3A_79] : memref<16x2x128xi32, #tpu.memory_space<vmem>> -> memref<1x1x128xi32, #tpu.memory_space<vmem>>
      %dma_start3A_81 = tpu.memref_squeeze %dma_start3A_80 : memref<1x1x128xi32, #tpu.memory_space<vmem>> -> memref<128xi32, #tpu.memory_space<vmem>>
      %dma_start3A_82 = arith.constant 0 : i32
      %dma_start3A_83 = arith.constant 0 : i32
      %dma_start3A_84 = tpu.memref_slice %arg2[%dma_start3A_82, %dma_start3A_83] : memref<262144x128xf32, #tpu.memory_space<hbm>> -> memref<262144x128xf32, #tpu.memory_space<hbm>>
      tpu.enqueue_indirect_dma source(%dma_start3A_84 : memref<262144x128xf32, #tpu.memory_space<hbm>>) target(%arg11 : memref<128x128xf32, #tpu.memory_space<vmem>>) offsets(%dma_start3A_81 : memref<128xi32, #tpu.memory_space<vmem>>) semaphore(%arg18 : memref<!tpu.dma_semaphore, #tpu.memory_space<semaphore_mem>>)
      %dma_wait3A = arith.constant 0 : i32
      %dma_wait3A_85 = arith.constant 0 : i32
      %dma_wait3A_86 = tpu.memref_slice %arg12[%scan3A_55, %dma_wait3A, %dma_wait3A_85] : memref<16x2x128xi32, #tpu.memory_space<vmem>> -> memref<1x1x128xi32, #tpu.memory_space<vmem>>
      %dma_wait3A_87 = tpu.memref_squeeze %dma_wait3A_86 : memref<1x1x128xi32, #tpu.memory_space<vmem>> -> memref<128xi32, #tpu.memory_space<vmem>>
      %dma_wait3A_88 = arith.constant 0 : i32
      %dma_wait3A_89 = arith.constant 0 : i32
      %dma_wait3A_90 = tpu.memref_slice %arg2[%dma_wait3A_88, %dma_wait3A_89] : memref<262144x128xf32, #tpu.memory_space<hbm>> -> memref<262144x128xf32, #tpu.memory_space<hbm>>
      tpu.wait_indirect_dma semaphore(%arg17 : memref<!tpu.dma_semaphore, #tpu.memory_space<semaphore_mem>>) src(%dma_wait3A_90 : memref<262144x128xf32, #tpu.memory_space<hbm>>) dst(%arg10 : memref<128x128xf32, #tpu.memory_space<vmem>>)
      %mul3A_91 = arith.constant 256 : i32
      %mul3A_92 = arith.muli %arg1, %mul3A_91 : i32
      %dma_start3A_93 = arith.constant 0 : i32
      %dma_start3A_94 = tpu.memref_slice %arg16[%select_n3A_71, %mul3A_92, %dma_start3A_93] : memref<2x4096x128xf32, #tpu.memory_space<vmem_shared>> -> memref<1x128x128xf32, #tpu.memory_space<vmem_shared>>
      %dma_start3A_95 = tpu.memref_squeeze %dma_start3A_94 : memref<1x128x128xf32, #tpu.memory_space<vmem_shared>> -> memref<128x128xf32, #tpu.memory_space<vmem_shared>>
      %dma_start3A_96 = arith.constant 0 : i32
      %dma_start3A_97 = tpu.memref_slice %arg16[%select_n3A_71, %mul3A_92, %dma_start3A_96] : memref<2x4096x128xf32, #tpu.memory_space<vmem_shared>> -> memref<1x128x128xf32, #tpu.memory_space<vmem_shared>>
      %dma_start3A_98 = tpu.memref_squeeze %dma_start3A_97 : memref<1x128x128xf32, #tpu.memory_space<vmem_shared>> -> memref<128x128xf32, #tpu.memory_space<vmem_shared>>
      tpu.enqueue_dma source(%arg10 : memref<128x128xf32, #tpu.memory_space<vmem>>) target(%dma_start3A_98 : memref<128x128xf32, #tpu.memory_space<vmem_shared>>) target_semaphore(%arg17 : memref<!tpu.dma_semaphore, #tpu.memory_space<semaphore_mem>>)
      %dma_wait3A_99 = arith.constant 1 : i32
      %dma_wait3A_100 = arith.constant 0 : i32
      %dma_wait3A_101 = tpu.memref_slice %arg12[%scan3A_55, %dma_wait3A_99, %dma_wait3A_100] : memref<16x2x128xi32, #tpu.memory_space<vmem>> -> memref<1x1x128xi32, #tpu.memory_space<vmem>>
      %dma_wait3A_102 = tpu.memref_squeeze %dma_wait3A_101 : memref<1x1x128xi32, #tpu.memory_space<vmem>> -> memref<128xi32, #tpu.memory_space<vmem>>
      %dma_wait3A_103 = arith.constant 0 : i32
      %dma_wait3A_104 = arith.constant 0 : i32
      %dma_wait3A_105 = tpu.memref_slice %arg2[%dma_wait3A_103, %dma_wait3A_104] : memref<262144x128xf32, #tpu.memory_space<hbm>> -> memref<262144x128xf32, #tpu.memory_space<hbm>>
      tpu.wait_indirect_dma semaphore(%arg18 : memref<!tpu.dma_semaphore, #tpu.memory_space<semaphore_mem>>) src(%dma_wait3A_105 : memref<262144x128xf32, #tpu.memory_space<hbm>>) dst(%arg11 : memref<128x128xf32, #tpu.memory_space<vmem>>)
      %mul3A_106 = arith.constant 256 : i32
      %mul3A_107 = arith.muli %arg1, %mul3A_106 : i32
      %add3A_108 = arith.constant 128 : i32
      %add3A_109 = arith.addi %mul3A_107, %add3A_108 : i32
      %dma_start3A_110 = arith.constant 0 : i32
      %dma_start3A_111 = tpu.memref_slice %arg16[%select_n3A_71, %add3A_109, %dma_start3A_110] : memref<2x4096x128xf32, #tpu.memory_space<vmem_shared>> -> memref<1x128x128xf32, #tpu.memory_space<vmem_shared>>
      %dma_start3A_112 = tpu.memref_squeeze %dma_start3A_111 : memref<1x128x128xf32, #tpu.memory_space<vmem_shared>> -> memref<128x128xf32, #tpu.memory_space<vmem_shared>>
      %dma_start3A_113 = arith.constant 0 : i32
      %dma_start3A_114 = tpu.memref_slice %arg16[%select_n3A_71, %add3A_109, %dma_start3A_113] : memref<2x4096x128xf32, #tpu.memory_space<vmem_shared>> -> memref<1x128x128xf32, #tpu.memory_space<vmem_shared>>
      %dma_start3A_115 = tpu.memref_squeeze %dma_start3A_114 : memref<1x128x128xf32, #tpu.memory_space<vmem_shared>> -> memref<128x128xf32, #tpu.memory_space<vmem_shared>>
      tpu.enqueue_dma source(%arg11 : memref<128x128xf32, #tpu.memory_space<vmem>>) target(%dma_start3A_115 : memref<128x128xf32, #tpu.memory_space<vmem_shared>>) target_semaphore(%arg18 : memref<!tpu.dma_semaphore, #tpu.memory_space<semaphore_mem>>)
      %dma_wait3A_116 = arith.constant 0 : i32
      %dma_wait3A_117 = tpu.memref_slice %arg16[%select_n3A_71, %mul3A_92, %dma_wait3A_116] : memref<2x4096x128xf32, #tpu.memory_space<vmem_shared>> -> memref<1x128x128xf32, #tpu.memory_space<vmem_shared>>
      %dma_wait3A_118 = tpu.memref_squeeze %dma_wait3A_117 : memref<1x128x128xf32, #tpu.memory_space<vmem_shared>> -> memref<128x128xf32, #tpu.memory_space<vmem_shared>>
      %dma_wait3A_119 = arith.constant 0 : i32
      %dma_wait3A_120 = tpu.memref_slice %arg16[%select_n3A_71, %mul3A_92, %dma_wait3A_119] : memref<2x4096x128xf32, #tpu.memory_space<vmem_shared>> -> memref<1x128x128xf32, #tpu.memory_space<vmem_shared>>
      %dma_wait3A_121 = tpu.memref_squeeze %dma_wait3A_120 : memref<1x128x128xf32, #tpu.memory_space<vmem_shared>> -> memref<128x128xf32, #tpu.memory_space<vmem_shared>>
      tpu.wait_dma2 semaphore(%arg17 : memref<!tpu.dma_semaphore, #tpu.memory_space<semaphore_mem>>) src(%arg10 : memref<128x128xf32, #tpu.memory_space<vmem>>) dst(%dma_wait3A_121 : memref<128x128xf32, #tpu.memory_space<vmem_shared>>)
      %dma_wait3A_122 = arith.constant 0 : i32
      %dma_wait3A_123 = tpu.memref_slice %arg16[%select_n3A_71, %add3A_109, %dma_wait3A_122] : memref<2x4096x128xf32, #tpu.memory_space<vmem_shared>> -> memref<1x128x128xf32, #tpu.memory_space<vmem_shared>>
      %dma_wait3A_124 = tpu.memref_squeeze %dma_wait3A_123 : memref<1x128x128xf32, #tpu.memory_space<vmem_shared>> -> memref<128x128xf32, #tpu.memory_space<vmem_shared>>
      %dma_wait3A_125 = arith.constant 0 : i32
      %dma_wait3A_126 = tpu.memref_slice %arg16[%select_n3A_71, %add3A_109, %dma_wait3A_125] : memref<2x4096x128xf32, #tpu.memory_space<vmem_shared>> -> memref<1x128x128xf32, #tpu.memory_space<vmem_shared>>
      %dma_wait3A_127 = tpu.memref_squeeze %dma_wait3A_126 : memref<1x128x128xf32, #tpu.memory_space<vmem_shared>> -> memref<128x128xf32, #tpu.memory_space<vmem_shared>>
      tpu.wait_dma2 semaphore(%arg18 : memref<!tpu.dma_semaphore, #tpu.memory_space<semaphore_mem>>) src(%arg11 : memref<128x128xf32, #tpu.memory_space<vmem>>) dst(%dma_wait3A_127 : memref<128x128xf32, #tpu.memory_space<vmem_shared>>)
      %barrier3A = arith.constant 0 : index
      tpu.barrier barrier_id(%barrier3A)
      "tpu.region"() ({
        %run_scoped3A = tpu.sem_alloc : memref<!tpu.dma_semaphore, #tpu.memory_space<semaphore_mem>>
        %dma_start3A_187 = arith.constant 0 : i32
        %dma_start3A_188 = tpu.memref_slice %arg13[%scan3A_55, %dma_start3A_187] : memref<16x128xi32, #tpu.memory_space<vmem>> -> memref<1x128xi32, #tpu.memory_space<vmem>>
        %dma_start3A_189 = tpu.memref_squeeze %dma_start3A_188 : memref<1x128xi32, #tpu.memory_space<vmem>> -> memref<128xi32, #tpu.memory_space<vmem>>
        %dma_start3A_190 = arith.constant 0 : i32
        %dma_start3A_191 = arith.constant 0 : i32
        %dma_start3A_192 = tpu.memref_slice %arg2[%dma_start3A_190, %dma_start3A_191] : memref<262144x128xf32, #tpu.memory_space<hbm>> -> memref<262144x128xf32, #tpu.memory_space<hbm>>
        tpu.enqueue_indirect_dma source(%dma_start3A_192 : memref<262144x128xf32, #tpu.memory_space<hbm>>) target(%arg10 : memref<128x128xf32, #tpu.memory_space<vmem>>) offsets(%dma_start3A_189 : memref<128xi32, #tpu.memory_space<vmem>>) semaphore(%run_scoped3A : memref<!tpu.dma_semaphore, #tpu.memory_space<semaphore_mem>>)
        %dma_wait3A_193 = arith.constant 0 : i32
        %dma_wait3A_194 = tpu.memref_slice %arg13[%scan3A_55, %dma_wait3A_193] : memref<16x128xi32, #tpu.memory_space<vmem>> -> memref<1x128xi32, #tpu.memory_space<vmem>>
        %dma_wait3A_195 = tpu.memref_squeeze %dma_wait3A_194 : memref<1x128xi32, #tpu.memory_space<vmem>> -> memref<128xi32, #tpu.memory_space<vmem>>
        %dma_wait3A_196 = arith.constant 0 : i32
        %dma_wait3A_197 = arith.constant 0 : i32
        %dma_wait3A_198 = tpu.memref_slice %arg2[%dma_wait3A_196, %dma_wait3A_197] : memref<262144x128xf32, #tpu.memory_space<hbm>> -> memref<262144x128xf32, #tpu.memory_space<hbm>>
        tpu.wait_indirect_dma semaphore(%run_scoped3A : memref<!tpu.dma_semaphore, #tpu.memory_space<semaphore_mem>>) src(%dma_wait3A_198 : memref<262144x128xf32, #tpu.memory_space<hbm>>) dst(%arg10 : memref<128x128xf32, #tpu.memory_space<vmem>>)
        tpu.yield
      }) : () -> ()
      "tpu.region"() ({
        %run_scoped3A = tpu.sem_alloc : memref<!tpu.dma_semaphore, #tpu.memory_space<semaphore_mem>>
        %dma_start3A_187 = arith.constant 0 : i32
        %dma_start3A_188 = tpu.memref_slice %arg14[%scan3A_55, %dma_start3A_187] : memref<16x128xi32, #tpu.memory_space<vmem>> -> memref<1x128xi32, #tpu.memory_space<vmem>>
        %dma_start3A_189 = tpu.memref_squeeze %dma_start3A_188 : memref<1x128xi32, #tpu.memory_space<vmem>> -> memref<128xi32, #tpu.memory_space<vmem>>
        %dma_start3A_190 = arith.constant 0 : i32
        %dma_start3A_191 = arith.constant 0 : i32
        %dma_start3A_192 = tpu.memref_slice %arg16[%select_n3A_71, %dma_start3A_190, %dma_start3A_191] : memref<2x4096x128xf32, #tpu.memory_space<vmem_shared>> -> memref<1x4096x128xf32, #tpu.memory_space<vmem_shared>>
        %dma_start3A_193 = tpu.memref_squeeze %dma_start3A_192 : memref<1x4096x128xf32, #tpu.memory_space<vmem_shared>> -> memref<4096x128xf32, #tpu.memory_space<vmem_shared>>
        %dma_start3A_194 = arith.constant 0 : i32
        %dma_start3A_195 = arith.constant 0 : i32
        %dma_start3A_196 = tpu.memref_slice %dma_start3A_193[%dma_start3A_194, %dma_start3A_195] : memref<4096x128xf32, #tpu.memory_space<vmem_shared>> -> memref<4096x128xf32, #tpu.memory_space<vmem_shared>>
        tpu.enqueue_indirect_dma source(%arg10 : memref<128x128xf32, #tpu.memory_space<vmem>>) target(%dma_start3A_196 : memref<4096x128xf32, #tpu.memory_space<vmem_shared>>) offsets(%dma_start3A_189 : memref<128xi32, #tpu.memory_space<vmem>>) semaphore(%run_scoped3A : memref<!tpu.dma_semaphore, #tpu.memory_space<semaphore_mem>>) {add = true}
        %dma_wait3A_197 = arith.constant 0 : i32
        %dma_wait3A_198 = tpu.memref_slice %arg14[%scan3A_55, %dma_wait3A_197] : memref<16x128xi32, #tpu.memory_space<vmem>> -> memref<1x128xi32, #tpu.memory_space<vmem>>
        %dma_wait3A_199 = tpu.memref_squeeze %dma_wait3A_198 : memref<1x128xi32, #tpu.memory_space<vmem>> -> memref<128xi32, #tpu.memory_space<vmem>>
        %dma_wait3A_200 = arith.constant 0 : i32
        %dma_wait3A_201 = arith.constant 0 : i32
        %dma_wait3A_202 = tpu.memref_slice %arg16[%select_n3A_71, %dma_wait3A_200, %dma_wait3A_201] : memref<2x4096x128xf32, #tpu.memory_space<vmem_shared>> -> memref<1x4096x128xf32, #tpu.memory_space<vmem_shared>>
        %dma_wait3A_203 = tpu.memref_squeeze %dma_wait3A_202 : memref<1x4096x128xf32, #tpu.memory_space<vmem_shared>> -> memref<4096x128xf32, #tpu.memory_space<vmem_shared>>
        %dma_wait3A_204 = arith.constant 0 : i32
        %dma_wait3A_205 = arith.constant 0 : i32
        %dma_wait3A_206 = tpu.memref_slice %dma_wait3A_203[%dma_wait3A_204, %dma_wait3A_205] : memref<4096x128xf32, #tpu.memory_space<vmem_shared>> -> memref<4096x128xf32, #tpu.memory_space<vmem_shared>>
        tpu.wait_indirect_dma semaphore(%run_scoped3A : memref<!tpu.dma_semaphore, #tpu.memory_space<semaphore_mem>>) src(%arg10 : memref<128x128xf32, #tpu.memory_space<vmem>>) dst(%dma_wait3A_206 : memref<4096x128xf32, #tpu.memory_space<vmem_shared>>)
        tpu.yield
      }) : () -> ()
      %barrier3A_128 = arith.constant 0 : index
      tpu.barrier barrier_id(%barrier3A_128)
      %mul3A_129 = arith.constant 256 : i32
      %mul3A_130 = arith.muli %arg1, %mul3A_129 : i32
      %dma_start3A_131 = arith.constant 0 : i32
      %dma_start3A_132 = tpu.memref_slice %arg16[%select_n3A_71, %mul3A_130, %dma_start3A_131] : memref<2x4096x128xf32, #tpu.memory_space<vmem_shared>> -> memref<1x128x128xf32, #tpu.memory_space<vmem_shared>>
      %dma_start3A_133 = tpu.memref_squeeze %dma_start3A_132 : memref<1x128x128xf32, #tpu.memory_space<vmem_shared>> -> memref<128x128xf32, #tpu.memory_space<vmem_shared>>
      %dma_start3A_134 = arith.constant 0 : i32
      %dma_start3A_135 = tpu.memref_slice %arg16[%select_n3A_71, %mul3A_130, %dma_start3A_134] : memref<2x4096x128xf32, #tpu.memory_space<vmem_shared>> -> memref<1x128x128xf32, #tpu.memory_space<vmem_shared>>
      %dma_start3A_136 = tpu.memref_squeeze %dma_start3A_135 : memref<1x128x128xf32, #tpu.memory_space<vmem_shared>> -> memref<128x128xf32, #tpu.memory_space<vmem_shared>>
      tpu.enqueue_dma source(%dma_start3A_136 : memref<128x128xf32, #tpu.memory_space<vmem_shared>>) target(%arg10 : memref<128x128xf32, #tpu.memory_space<vmem>>) target_semaphore(%arg17 : memref<!tpu.dma_semaphore, #tpu.memory_space<semaphore_mem>>)
      %mul3A_137 = arith.constant 256 : i32
      %mul3A_138 = arith.muli %arg1, %mul3A_137 : i32
      %add3A_139 = arith.constant 128 : i32
      %add3A_140 = arith.addi %mul3A_138, %add3A_139 : i32
      %dma_start3A_141 = arith.constant 0 : i32
      %dma_start3A_142 = tpu.memref_slice %arg16[%select_n3A_71, %add3A_140, %dma_start3A_141] : memref<2x4096x128xf32, #tpu.memory_space<vmem_shared>> -> memref<1x128x128xf32, #tpu.memory_space<vmem_shared>>
      %dma_start3A_143 = tpu.memref_squeeze %dma_start3A_142 : memref<1x128x128xf32, #tpu.memory_space<vmem_shared>> -> memref<128x128xf32, #tpu.memory_space<vmem_shared>>
      %dma_start3A_144 = arith.constant 0 : i32
      %dma_start3A_145 = tpu.memref_slice %arg16[%select_n3A_71, %add3A_140, %dma_start3A_144] : memref<2x4096x128xf32, #tpu.memory_space<vmem_shared>> -> memref<1x128x128xf32, #tpu.memory_space<vmem_shared>>
      %dma_start3A_146 = tpu.memref_squeeze %dma_start3A_145 : memref<1x128x128xf32, #tpu.memory_space<vmem_shared>> -> memref<128x128xf32, #tpu.memory_space<vmem_shared>>
      tpu.enqueue_dma source(%dma_start3A_146 : memref<128x128xf32, #tpu.memory_space<vmem_shared>>) target(%arg11 : memref<128x128xf32, #tpu.memory_space<vmem>>) target_semaphore(%arg18 : memref<!tpu.dma_semaphore, #tpu.memory_space<semaphore_mem>>)
      %dma_wait3A_147 = arith.constant 0 : i32
      %dma_wait3A_148 = tpu.memref_slice %arg16[%select_n3A_71, %mul3A_130, %dma_wait3A_147] : memref<2x4096x128xf32, #tpu.memory_space<vmem_shared>> -> memref<1x128x128xf32, #tpu.memory_space<vmem_shared>>
      %dma_wait3A_149 = tpu.memref_squeeze %dma_wait3A_148 : memref<1x128x128xf32, #tpu.memory_space<vmem_shared>> -> memref<128x128xf32, #tpu.memory_space<vmem_shared>>
      %dma_wait3A_150 = arith.constant 0 : i32
      %dma_wait3A_151 = tpu.memref_slice %arg16[%select_n3A_71, %mul3A_130, %dma_wait3A_150] : memref<2x4096x128xf32, #tpu.memory_space<vmem_shared>> -> memref<1x128x128xf32, #tpu.memory_space<vmem_shared>>
      %dma_wait3A_152 = tpu.memref_squeeze %dma_wait3A_151 : memref<1x128x128xf32, #tpu.memory_space<vmem_shared>> -> memref<128x128xf32, #tpu.memory_space<vmem_shared>>
      tpu.wait_dma2 semaphore(%arg17 : memref<!tpu.dma_semaphore, #tpu.memory_space<semaphore_mem>>) src(%dma_wait3A_152 : memref<128x128xf32, #tpu.memory_space<vmem_shared>>) dst(%arg10 : memref<128x128xf32, #tpu.memory_space<vmem>>)
      %dma_start3A_153 = arith.constant 0 : i32
      %dma_start3A_154 = arith.constant 0 : i32
      %dma_start3A_155 = tpu.memref_slice %arg15[%scan3A_55, %dma_start3A_153, %dma_start3A_154] : memref<16x2x128xi32, #tpu.memory_space<vmem>> -> memref<1x1x128xi32, #tpu.memory_space<vmem>>
      %dma_start3A_156 = tpu.memref_squeeze %dma_start3A_155 : memref<1x1x128xi32, #tpu.memory_space<vmem>> -> memref<128xi32, #tpu.memory_space<vmem>>
      %dma_start3A_157 = arith.constant 0 : i32
      %dma_start3A_158 = arith.constant 0 : i32
      %dma_start3A_159 = tpu.memref_slice %arg8[%dma_start3A_157, %dma_start3A_158] : memref<196608x128xf32, #tpu.memory_space<hbm>> -> memref<196608x128xf32, #tpu.memory_space<hbm>>
      tpu.enqueue_indirect_dma source(%arg10 : memref<128x128xf32, #tpu.memory_space<vmem>>) target(%dma_start3A_159 : memref<196608x128xf32, #tpu.memory_space<hbm>>) offsets(%dma_start3A_156 : memref<128xi32, #tpu.memory_space<vmem>>) semaphore(%arg17 : memref<!tpu.dma_semaphore, #tpu.memory_space<semaphore_mem>>)
      %dma_wait3A_160 = arith.constant 0 : i32
      %dma_wait3A_161 = tpu.memref_slice %arg16[%select_n3A_71, %add3A_140, %dma_wait3A_160] : memref<2x4096x128xf32, #tpu.memory_space<vmem_shared>> -> memref<1x128x128xf32, #tpu.memory_space<vmem_shared>>
      %dma_wait3A_162 = tpu.memref_squeeze %dma_wait3A_161 : memref<1x128x128xf32, #tpu.memory_space<vmem_shared>> -> memref<128x128xf32, #tpu.memory_space<vmem_shared>>
      %dma_wait3A_163 = arith.constant 0 : i32
      %dma_wait3A_164 = tpu.memref_slice %arg16[%select_n3A_71, %add3A_140, %dma_wait3A_163] : memref<2x4096x128xf32, #tpu.memory_space<vmem_shared>> -> memref<1x128x128xf32, #tpu.memory_space<vmem_shared>>
      %dma_wait3A_165 = tpu.memref_squeeze %dma_wait3A_164 : memref<1x128x128xf32, #tpu.memory_space<vmem_shared>> -> memref<128x128xf32, #tpu.memory_space<vmem_shared>>
      tpu.wait_dma2 semaphore(%arg18 : memref<!tpu.dma_semaphore, #tpu.memory_space<semaphore_mem>>) src(%dma_wait3A_165 : memref<128x128xf32, #tpu.memory_space<vmem_shared>>) dst(%arg11 : memref<128x128xf32, #tpu.memory_space<vmem>>)
      %dma_start3A_166 = arith.constant 1 : i32
      %dma_start3A_167 = arith.constant 0 : i32
      %dma_start3A_168 = tpu.memref_slice %arg15[%scan3A_55, %dma_start3A_166, %dma_start3A_167] : memref<16x2x128xi32, #tpu.memory_space<vmem>> -> memref<1x1x128xi32, #tpu.memory_space<vmem>>
      %dma_start3A_169 = tpu.memref_squeeze %dma_start3A_168 : memref<1x1x128xi32, #tpu.memory_space<vmem>> -> memref<128xi32, #tpu.memory_space<vmem>>
      %dma_start3A_170 = arith.constant 0 : i32
      %dma_start3A_171 = arith.constant 0 : i32
      %dma_start3A_172 = tpu.memref_slice %arg8[%dma_start3A_170, %dma_start3A_171] : memref<196608x128xf32, #tpu.memory_space<hbm>> -> memref<196608x128xf32, #tpu.memory_space<hbm>>
      tpu.enqueue_indirect_dma source(%arg11 : memref<128x128xf32, #tpu.memory_space<vmem>>) target(%dma_start3A_172 : memref<196608x128xf32, #tpu.memory_space<hbm>>) offsets(%dma_start3A_169 : memref<128xi32, #tpu.memory_space<vmem>>) semaphore(%arg18 : memref<!tpu.dma_semaphore, #tpu.memory_space<semaphore_mem>>)
      %dma_wait3A_173 = arith.constant 0 : i32
      %dma_wait3A_174 = arith.constant 0 : i32
      %dma_wait3A_175 = tpu.memref_slice %arg15[%scan3A_55, %dma_wait3A_173, %dma_wait3A_174] : memref<16x2x128xi32, #tpu.memory_space<vmem>> -> memref<1x1x128xi32, #tpu.memory_space<vmem>>
      %dma_wait3A_176 = tpu.memref_squeeze %dma_wait3A_175 : memref<1x1x128xi32, #tpu.memory_space<vmem>> -> memref<128xi32, #tpu.memory_space<vmem>>
      %dma_wait3A_177 = arith.constant 0 : i32
      %dma_wait3A_178 = arith.constant 0 : i32
      %dma_wait3A_179 = tpu.memref_slice %arg8[%dma_wait3A_177, %dma_wait3A_178] : memref<196608x128xf32, #tpu.memory_space<hbm>> -> memref<196608x128xf32, #tpu.memory_space<hbm>>
      tpu.wait_indirect_dma semaphore(%arg17 : memref<!tpu.dma_semaphore, #tpu.memory_space<semaphore_mem>>) src(%arg10 : memref<128x128xf32, #tpu.memory_space<vmem>>) dst(%dma_wait3A_179 : memref<196608x128xf32, #tpu.memory_space<hbm>>)
      %dma_wait3A_180 = arith.constant 1 : i32
      %dma_wait3A_181 = arith.constant 0 : i32
      %dma_wait3A_182 = tpu.memref_slice %arg15[%scan3A_55, %dma_wait3A_180, %dma_wait3A_181] : memref<16x2x128xi32, #tpu.memory_space<vmem>> -> memref<1x1x128xi32, #tpu.memory_space<vmem>>
      %dma_wait3A_183 = tpu.memref_squeeze %dma_wait3A_182 : memref<1x1x128xi32, #tpu.memory_space<vmem>> -> memref<128xi32, #tpu.memory_space<vmem>>
      %dma_wait3A_184 = arith.constant 0 : i32
      %dma_wait3A_185 = arith.constant 0 : i32
      %dma_wait3A_186 = tpu.memref_slice %arg8[%dma_wait3A_184, %dma_wait3A_185] : memref<196608x128xf32, #tpu.memory_space<hbm>> -> memref<196608x128xf32, #tpu.memory_space<hbm>>
      tpu.wait_indirect_dma semaphore(%arg18 : memref<!tpu.dma_semaphore, #tpu.memory_space<semaphore_mem>>) src(%arg11 : memref<128x128xf32, #tpu.memory_space<vmem>>) dst(%dma_wait3A_186 : memref<196608x128xf32, #tpu.memory_space<hbm>>)
    }
    %scan3A_54 = arith.constant 16 : i32
    return
  }
}

module attributes {stable_mosaic.version = 14 : i64} {
  func.func @_match_body(%arg0: i32, %arg1: i32, %arg2: memref<1x512x128xf32, #tpu.memory_space<vmem>>, %arg3: memref<1x4096x128xf32, #tpu.memory_space<vmem>>, %arg4: memref<1x1x1x512xf32, #tpu.memory_space<vmem>>, %arg5: memref<1x1x1x512xi32, #tpu.memory_space<vmem>>, %arg6: memref<4096x128xf32, #tpu.memory_space<vmem>>) attributes {dimension_semantics = [#tpu.dimension_semantics<arbitrary>, #tpu.dimension_semantics<arbitrary>], iteration_bounds = array<i64: 4, 8>, scalar_prefetch = 0 : i64, scratch_operands = 1 : i64, tpu.core_type = #tpu.core_type<tc>, window_params = [{transform_indices = @transform_0, window_bounds = array<i64: 1, 512, 128>}, {transform_indices = @transform_1, window_bounds = array<i64: 1, 4096, 128>}, {transform_indices = @transform_2, window_bounds = array<i64: 1, 1, 1, 512>}, {transform_indices = @transform_3, window_bounds = array<i64: 1, 1, 1, 512>}]} {
    %get3A = arith.constant 0 : index
    %get3A_0 = arith.constant 0 : index
    %get3A_1 = arith.constant 0 : index
    %get3A_2 = vector.load %arg2[%get3A, %get3A_0, %get3A_1] : memref<1x512x128xf32, #tpu.memory_space<vmem>>, vector<1x512x128xf32>
    %get3A_3 = vector.shape_cast %get3A_2 : vector<1x512x128xf32> to vector<512x128xf32>
    %eq3A = arith.constant 0 : i32
    %eq3A_4 = arith.cmpi eq, %arg1, %eq3A : i32
    %convert_element_type3A = arith.extui %eq3A_4 : i1 to i32
    %cond3A = arith.constant 0 : i32
    %cond3A_5 = arith.cmpi ne, %convert_element_type3A, %cond3A : i32
    scf.if %cond3A_5 {
      %iota3A_35 = tpu.iota {dimensions = array<i32: 0>} : vector<128x128xi32>
      %iota3A_36 = tpu.iota {dimensions = array<i32: 1>} : vector<128x128xi32>
      %add3A = arith.constant 64 : i32
      %add3A_37 = vector.broadcast %add3A : i32 to vector<128x128xi32>
      %add3A_38 = arith.addi %iota3A_36, %add3A_37 : vector<128x128xi32>
      %eq3A_39 = arith.cmpi eq, %iota3A_35, %add3A_38 : vector<128x128xi32>
      %convert_element_type3A_40 = arith.extui %eq3A_39 : vector<128x128xi1> to vector<128x128xi32>
      %convert_element_type3A_41 = arith.sitofp %convert_element_type3A_40 : vector<128x128xi32> to vector<128x128xf32>
      %get3A_42 = arith.constant 0 : index
      %get3A_43 = arith.constant 0 : index
      %get3A_44 = arith.constant 0 : index
      %get3A_45 = vector.load %arg3[%get3A_42, %get3A_43, %get3A_44] : memref<1x4096x128xf32, #tpu.memory_space<vmem>>, vector<1x4096x128xf32>
      %get3A_46 = vector.shape_cast %get3A_45 : vector<1x4096x128xf32> to vector<4096x128xf32>
      %dot_general3A_47 = arith.constant dense<0.000000e+00> : vector<4096x128xf32>
      %dot_general3A_48 = tpu.matmul %get3A_46, %convert_element_type3A_41, %dot_general3A_47 {dimension_numbers = #tpu.dot_dimension_numbers<[1], [0], [0], [1], [0, 0, 1, 1], [], []>, transpose_lhs_hint = false} : vector<4096x128xf32>, vector<128x128xf32>, vector<4096x128xf32> -> vector<4096x128xf32>
      %swap3A_49 = arith.constant 0 : index
      %swap3A_50 = arith.constant 0 : index
      %swap3A_51 = vector.load %arg6[%swap3A_49, %swap3A_50] : memref<4096x128xf32, #tpu.memory_space<vmem>>, vector<4096x128xf32>
      tpu.vector_store %arg6[%swap3A_49, %swap3A_50], %dot_general3A_48 {strides = array<i32>} : memref<4096x128xf32, #tpu.memory_space<vmem>>, vector<4096x128xf32>,
    } else {
    }
    %get3A_6 = arith.constant 0 : index
    %get3A_7 = arith.constant 0 : index
    %get3A_8 = vector.load %arg6[%get3A_6, %get3A_7] : memref<4096x128xf32, #tpu.memory_space<vmem>>, vector<4096x128xf32>
    %dot_general3A = arith.constant dense<0.000000e+00> : vector<4096x512xf32>
    %dot_general3A_9 = tpu.matmul %get3A_8, %get3A_3, %dot_general3A {dimension_numbers = #tpu.dot_dimension_numbers<[1], [1], [0], [0], [0, 0, 1, 0], [], []>, transpose_lhs_hint = false} : vector<4096x128xf32>, vector<512x128xf32>, vector<4096x512xf32> -> vector<4096x512xf32>
    %reduce_max3A = arith.constant dense<0xFF800000> : vector<512xf32>
    %reduce_max3A_10 = vector.multi_reduction <maximumf>, %dot_general3A_9, %reduce_max3A [0] : vector<4096x512xf32> to vector<512xf32>
    %iota3A = tpu.iota {dimensions = array<i32: 0>} : vector<4096x512xi32>
    %broadcast_in_dim3A = vector.shape_cast %reduce_max3A_10 : vector<512xf32> to vector<1x512xf32>
    %eq3A_11 = vector.broadcast %broadcast_in_dim3A : vector<1x512xf32> to vector<4096x512xf32>
    %eq3A_12 = arith.cmpf oeq, %dot_general3A_9, %eq3A_11 : vector<4096x512xf32>
    %jit3A = arith.constant 4096 : i32
    %broadcast_in_dim3A_13 = vector.broadcast %jit3A : i32 to vector<4096x512xi32>
    %select_n3A = arith.select %eq3A_12, %iota3A, %broadcast_in_dim3A_13 : vector<4096x512xi1>, vector<4096x512xi32>
    %reduce_min3A = arith.constant dense<2147483647> : vector<512xi32>
    %reduce_min3A_14 = vector.multi_reduction <minsi>, %select_n3A, %reduce_min3A [0] : vector<4096x512xi32> to vector<512xi32>
    %iota3A_15 = tpu.iota {dimensions = array<i32: 3>} : vector<1x1x1x512xi32>
    %eq3A_16 = arith.constant 0 : i32
    %eq3A_17 = arith.cmpi eq, %arg1, %eq3A_16 : i32
    %eq3A_18 = arith.constant 0 : i32
    %eq3A_19 = vector.broadcast %eq3A_18 : i32 to vector<1x1x1x512xi32>
    %eq3A_20 = arith.cmpi eq, %iota3A_15, %eq3A_19 : vector<1x1x1x512xi32>
    %and3A = vector.broadcast %eq3A_17 : i1 to vector<1x1x1x512xi1>
    %and3A_21 = arith.andi %and3A, %eq3A_20 : vector<1x1x1x512xi1>
    %reshape3A = vector.shape_cast %reduce_max3A_10 : vector<512xf32> to vector<1x1x1x512xf32>
    %jit3A_22 = arith.constant 0xFF800000 : f32
    %broadcast_in_dim3A_23 = vector.broadcast %jit3A_22 : f32 to vector<1x1x1x512xf32>
    %select_n3A_24 = arith.select %and3A_21, %broadcast_in_dim3A_23, %reshape3A : vector<1x1x1x512xi1>, vector<1x1x1x512xf32>
    %swap3A = arith.constant 0 : index
    %swap3A_25 = arith.constant 0 : index
    %swap3A_26 = arith.constant 0 : index
    %swap3A_27 = arith.constant 0 : index
    %swap3A_28 = vector.load %arg4[%swap3A, %swap3A_25, %swap3A_26, %swap3A_27] : memref<1x1x1x512xf32, #tpu.memory_space<vmem>>, vector<1x1x1x512xf32>
    tpu.vector_store %arg4[%swap3A, %swap3A_25, %swap3A_26, %swap3A_27], %select_n3A_24 {strides = array<i32>} : memref<1x1x1x512xf32, #tpu.memory_space<vmem>>, vector<1x1x1x512xf32>,
    %reshape3A_29 = vector.shape_cast %reduce_min3A_14 : vector<512xi32> to vector<1x1x1x512xi32>
    %swap3A_30 = arith.constant 0 : index
    %swap3A_31 = arith.constant 0 : index
    %swap3A_32 = arith.constant 0 : index
    %swap3A_33 = arith.constant 0 : index
    %swap3A_34 = vector.load %arg5[%swap3A_30, %swap3A_31, %swap3A_32, %swap3A_33] : memref<1x1x1x512xi32, #tpu.memory_space<vmem>>, vector<1x1x1x512xi32>
    tpu.vector_store %arg5[%swap3A_30, %swap3A_31, %swap3A_32, %swap3A_33], %reshape3A_29 {strides = array<i32>} : memref<1x1x1x512xi32, #tpu.memory_space<vmem>>, vector<1x1x1x512xi32>,
    return
  }
  func.func @transform_0(%arg0: i32, %arg1: i32) -> (i32, i32, i32) {
    %c0_i32 = arith.constant 0 : i32
    %c0_i32_0 = arith.constant 0 : i32
    return %arg0, %arg1, %c0_i32 : i32, i32, i32
  }
  func.func @transform_1(%arg0: i32, %arg1: i32) -> (i32, i32, i32) {
    %c0_i32 = arith.constant 0 : i32
    %c0_i32_0 = arith.constant 0 : i32
    %c0_i32_1 = arith.constant 0 : i32
    return %arg0, %c0_i32, %c0_i32_0 : i32, i32, i32
  }
  func.func @transform_2(%arg0: i32, %arg1: i32) -> (i32, i32, i32, i32) {
    %c0_i32 = arith.constant 0 : i32
    %c0_i32_0 = arith.constant 0 : i32
    %c0_i32_1 = arith.constant 0 : i32
    return %arg0, %arg1, %c0_i32, %c0_i32_0 : i32, i32, i32, i32
  }
  func.func @transform_3(%arg0: i32, %arg1: i32) -> (i32, i32, i32, i32) {
    %c0_i32 = arith.constant 0 : i32
    %c0_i32_0 = arith.constant 0 : i32
    %c0_i32_1 = arith.constant 0 : i32
    return %arg0, %arg1, %c0_i32, %c0_i32_0 : i32, i32, i32, i32
  }
}

</mosaic_0001>

<sc_bundles>
// kernel: gather_offload_async_start
scs
__scs_entry_jumppad:
0x0: {  	(pc) =	sbr.rel $0x88, $3  }
0x1: {  	(tag) =	ssettag $0x0;
	lr =	simm.s32 $0x1  }
0x2: {  	[smem:$0x3F9F] =	sst lr;
	_ =	strace $0xD0000000  }
0x3: {  	_ = 	snop  }
0x4: {  	_ = 	snop  }
0x5: {  	_ = 	snop  }
0x6: {  	_ = 	snop  }
0x7: {  	_ = 	snop  }
__scs_overlays_trampoline_lowered:
0x8: {  	[smem:$0x3FAE] =	sst s0  }
0x9: {  	[smem:$0x3FAF] =	sst s1  }
0xa: {  	[smem:$0x3FB0] =	sst s2  }
0xb: {  	[smem:$0x3FB1] =	sst s3  }
0xc: {  	[smem:$0x3FB2] =	sst s4  }
0xd: {  	[smem:$0x3FB3] =	sst s5  }
0xe: {  	[smem:$0x3FB4] =	sst s6  }
0xf: {  	[smem:$0x3FB5] =	sst s7  }
0x10: {  	[smem:$0x3FB6] =	sst s8  }
0x11: {  	[smem:$0x3FB7] =	sst s9;
	s0 =	simm.s32 @!p0 $0x0  }
0x12: {  	s1 =	sld [smem:$0x3F9D];
	s0 =	simm.s32 @p0 $0x1  }
0x13: {  	[smem:$0x3FB8] =	sst s0;
	s0 =	simm.s32 @!p1 $0x0  }
0x14: {  	s2 =	sld [smem:$0x3F9C];
	s0 =	simm.s32 @p1 $0x1  }
0x15: {  	[smem:$0x3FB9] =	sst s0;
	s0 =	simm.s32 @!p2 $0x0  }
0x16: {  	s3 =	sld [smem:$0x3FDB];
	s0 =	simm.s32 @p2 $0x1  }
0x17: {  	s4 =	simm.s32 $0x1BF5;
	[smem:$0x3FBB] =	sst s0  }
0x18: {  	s0 =	sld [smem:$0x3F9E];
	_ =	swait.ge [sflag:s4], $0x0  }
0x19: {  	s7 =	sld [smem:$0x3F9F]  }
0x1a: {  	s8 =	sadd.s32 $0xFFFFE003, lr  }
0x1b: {  	s9 =	sadd.s32 $0xFFFFFEF7, lr;
	s5 =	simm.s32 $0xFFFFFFFF;
	p2 =	slt.u32 s8, $0xFFFFF086  }
0x1c: {  	p1 =	slt.u32 s9, $0xF7A;
	s5 =	simm.s32 @!p2 $0x0  }
0x1d: {  	s5 =	simm.s32 @p1 $0x1;
	p0 =	seq.s32 s7, s2  }
0x1e: {  	s7 =	smul.u32 @!p0 $0xF7A, s2;
	p2 =	seq.s32 @!p0 s5, $0x0  }
0x1f: {  	s9 =	smul.u32 $0xF7A, s1;
	s8 =	simm.s32 @!p0 $0x1BF5;
	p2 =	por !p2, p0  }
0x20: {  	[sflag:s8] =	ssyncset.s32 @!p0 $0xFFFFF086;
	s6 =	sadd.s32 @!p0 s3, s7;
	s7 =	simm.s32 @!p0 $0x108  }
0x21: {  	s3 =	sadd.s32 s3, s9;
	s6 =	sadd.s32 @!p0 $0x88, s6;
	s7 =	simm.s32 @p2 $0x1082  }
0x22: {  	[simem:s7], [sflag:s8] =	dma.local @!p0 [hbm:s6], $0xF7A  }
0x23: {  	s9 =	sor.u32 $0xD0000000, s2;
	s6 =	simm.s32 $0x108;
	_ =	swait.ge @!p0 [sflag:s8], $0x0  }
0x24: {  	s3 =	sadd.s32 $0x88, s3;
	s6 =	simm.s32 @!p1 $0x1082;
	[sflag:s4] =	ssyncset.s32 $0xFFFFF086  }
0x25: {  	[simem:s6], [sflag:s4] =	dma.local [hbm:s3], $0xF7A  }
0x26: {  	[smem:$0x3F9F] =	sst s1;
	(tag) =	ssettag s2;
	_ =	strace s9  }
0x27: {  	s1 =	sld [smem:$0x3FAF]  }
0x28: {  	s2 =	sld [smem:$0x3FB0]  }
0x29: {  	s4 =	sld [smem:$0x3FB2]  }
0x2a: {  	p0 =	seq.s32 s5, $0x0;
	s5 =	sld [smem:$0x3FB3]  }
0x2b: {  	s6 =	sld [smem:$0x3FB4]  }
0x2c: {  	s7 =	sld [smem:$0x3FB5]  }
0x2d: {  	s3 =	simm.s32 $0x108;
	s8 =	sld [smem:$0x3FB6]  }
0x2e: {  	s3 =	simm.s32 @!p0 $0x1082;
	s9 =	sld [smem:$0x3FB7]  }
0x2f: {  	lr =	sadd.s32 s0, s3;
	s0 =	sld [smem:$0x3FAE]  }
0x30: {  	s3 =	sld [smem:$0x3FB1]  }
0x31: {  	[smem:$0x3FBA] =	sst s10  }
0x32: {  	s10 =	sld [smem:$0x3FB8];
	_ =	sdelay $0x3  }
0x33: {  	p0 =	seq.s32 s10, $0x1;
	s10 =	sld [smem:$0x3FBA];
	_ =	sdelay $0x3  }
0x34: {  	[smem:$0x3FBA] =	sst s10  }
0x35: {  	s10 =	sld [smem:$0x3FB9];
	_ =	sdelay $0x3  }
0x36: {  	p1 =	seq.s32 s10, $0x1;
	s10 =	sld [smem:$0x3FBA];
	_ =	sdelay $0x3  }
0x37: {  	[smem:$0x3FBA] =	sst s10  }
0x38: {  	s10 =	sld [smem:$0x3FBB]  }
0x39: {  	_ = 	snop;
	(pc) =	sbr.ind lr, $3  }
0x3a: {  	_ = 	snop  }
0x3b: {  	_ = 	snop  }
0x3c: {  	p2 =	seq.s32 s10, $0x1;
	s10 =	sld [smem:$0x3FBA]  }
0x3d: {  	_ =	shalt  }
0x3e: {  	_ =	shalt  }
0x3f: {  	_ =	shalt  }
0x40: {  	_ =	shalt  }
0x41: {  	_ =	shalt  }
0x42: {  	_ =	shalt  }
0x43: {  	_ =	shalt  }
0x44: {  	_ =	shalt  }
0x45: {  	_ =	shalt  }
0x46: {  	_ =	shalt  }
0x47: {  	_ =	shalt  }
0x48: {  	_ =	shalt  }
0x49: {  	_ =	shalt  }
0x4a: {  	_ =	shalt  }
0x4b: {  	_ =	shalt  }
0x4c: {  	_ =	shalt  }
0x4d: {  	_ =	shalt  }
0x4e: {  	_ =	shalt  }
0x4f: {  	_ =	shalt  }
0x50: {  	_ =	shalt  }
0x51: {  	_ =	shalt  }
0x52: {  	_ =	shalt  }
0x53: {  	_ =	shalt  }
0x54: {  	_ =	shalt  }
0x55: {  	_ =	shalt  }
0x56: {  	_ =	shalt  }
0x57: {  	_ =	shalt  }
0x58: {  	_ =	shalt  }
0x59: {  	_ =	shalt  }
0x5a: {  	_ =	shalt  }
0x5b: {  	_ =	shalt  }
0x5c: {  	_ =	shalt  }
0x5d: {  	_ =	shalt  }
0x5e: {  	_ =	shalt  }
0x5f: {  	_ =	shalt  }
0x60: {  	_ =	shalt  }
0x61: {  	_ =	shalt  }
0x62: {  	_ =	shalt  }
0x63: {  	_ =	shalt  }
0x64: {  	_ =	shalt  }
0x65: {  	_ =	shalt  }
0x66: {  	_ =	shalt  }
0x67: {  	_ =	shalt  }
0x68: {  	_ =	shalt  }
0x69: {  	_ =	shalt  }
0x6a: {  	_ =	shalt  }
0x6b: {  	_ =	shalt  }
0x6c: {  	_ =	shalt  }
0x6d: {  	_ =	shalt  }
0x6e: {  	_ =	shalt  }
0x6f: {  	_ =	shalt  }
0x70: {  	_ =	shalt  }
0x71: {  	_ =	shalt  }
0x72: {  	_ =	shalt  }
0x73: {  	_ =	shalt  }
0x74: {  	_ =	shalt  }
0x75: {  	_ =	shalt  }
0x76: {  	_ =	shalt  }
0x77: {  	_ =	shalt  }
0x78: {  	_ =	shalt  }
0x79: {  	_ =	shalt  }
0x7a: {  	_ =	shalt  }
0x7b: {  	_ =	shalt  }
0x7c: {  	_ =	shalt  }
0x7d: {  	_ =	shalt  }
0x7e: {  	_ =	shalt  }
0x7f: {  	_ =	shalt  }
0x80: {  	_ =	shalt  }
0x81: {  	_ =	shalt  }
0x82: {  	_ =	shalt  }
0x83: {  	_ =	shalt  }
0x84: {  	_ =	shalt  }
0x85: {  	_ =	shalt  }
0x86: {  	_ =	shalt  }
0x87: {  	_ =	shalt  }
.Lfunc_end0:
.L_simem_size_0:
called_computation_lowered:
.L_overlay_start_0:
0x88: {  	s2 =	sld [smem:$0x3FD9]  }
0x89: {  	s3 =	sld [smem:$0x3FFE];
	_ =	sdelay $0x1  }
0x8a: {  	s1 =	srdreg.scid  }
0x8b: {  	s0 =	sand.u32 $0x1, s1  }
0x8c: {  	s16 =	sshll.u32 s0, $0xA;
	s2 =	sadd.s32 s3, s2  }
0x8d: {  	s2 =	sadd.s32 s2, s16  }
0x8e: {  	[smem:$0x3FC6] =	sst s2  }
0x8f: {  	_ = 	snop  }
0x90: {  	(tm) =	ssettm $0x1  }
0x91: {  	s17 =	sld [smem:$0x3FFB];
	_ =	sdelay $0x3  }
0x92: {  	_ =	strace s17  }
0x93: {  	s2 =	sld [smem:$0x3FFC];
	_ =	sdelay $0x3  }
0x94: {  	_ =	strace s2  }
0x95: {  	s2 =	sld [smem:$0x3FFD];
	_ =	sdelay $0x3  }
0x96: {  	_ =	strace s2  }
0x97: {  	_ =	strace $0x8FFFFFFF  }
0x98: {  	s18 =	sld [smem:$0x3FDB];
	_ =	sdelay $0x1  }
0x99: {  	s19 =	simm.s32 $_scs_section_size  }
0x9a: {  	s4 =	simm.s32 $_size__tile_overlayer_lowered;
	s5 =	simm.s32 $_tile_overlayer_lowered  }
0x9b: {  	s22 =	simm.s32 $0x1BFF;
	s21 =	sshll.u32 s5, $0x1;
	s2 =	sadd.s32 s19, s18  }
0x9c: {  	s6 =	simm.s32 $0x0;
	s20 =	sshll.u32 s4, $0x1;
	s4 =	sadd.s32 s21, s2  }
0x9d: {  	[timem:s6], [sflag:s22] =	dma.local [hbm:s4], s20  }
0x9e: {  	_ =	swait.ge [sflag:s22], s20  }
0x9f: {  	s3 =	ssub.s32 $0x0, s20;
	[sflag:s22] =	ssyncset.done $0x0  }
0xa0: {  	[sflag:s22] =	ssyncadd.s32 s3;
	_ =	sdelay $0x1  }
0xa1: {  	s23 =	simm.s32 $0x1B8B  }
0xa2: {  	_ =	swait.ge [sflag:s23], $0x1  }
0xa3: {  	[sflag:s23] =	ssyncset.done $0x0  }
0xa4: {  	s25 =	simm.s32 $0x1B8E;
	s24 =	sld [smem:$0x3FFE];
	[sflag:s23] =	ssyncadd.s32 $0xFFFFFFFF  }
0xa5: {  	s26 =	simm.s32 $execute0_lowered;
	[smem:$0x3FD2] =	sst s25  }
0xa6: {  	s4 =	sshll.u32 s26, $0x1;
	_ =	strace $0x80000046;
	[dreg:$0x1] =	wrdreg $0xFFFFFFFF  }
0xa7: {  	s28 =	simm.s32 $_size_execute0_lowered;
	s2 =	sadd.s32 s2, s4;
	[dreg:$0x0] =	wrdreg $0x0  }
0xa8: {  	s4 =	sshll.u32 s28, $0x1;
	[dreg:$0x2] =	wrdreg s2  }
0xa9: {  	[dreg:$0x3] =	wrdreg s4  }
0xaa: {  	[dreg:$0x4] =	wrdreg $0xC0  }
0xab: {  	_ =	task [dreg:s6], $0x5FFFF  }
0xac: {  	[dreg:$0x1] =	wrdreg $0xFFFFFFFF  }
0xad: {  	[dreg:$0x0] =	wrdreg $0x60  }
0xae: {  	[dreg:$0x2] =	wrdreg s24  }
0xaf: {  	[dreg:$0x3] =	wrdreg $0x9  }
0xb0: {  	_ =	task.clear_ibuf [dreg:s6], $0x4FFFF;
	_ =	strace $0x90000046  }
0xb1: {  	s29 =	simm.s32 $0x9;
	_ =	strace $0x80000048  }
0xb2: {  	_ =	swait.ge [sflag:s29], $0x1  }
0xb3: {  	[sflag:s29] =	ssyncadd.s32 $0xFFFFFFFF  }
0xb4: {  	_ =	strace $0x90000048  }
0xb5: {  	_ =	sfence  }
0xb6: {  	s30 =	sld [smem:$0x0];
	_ =	sdelay $0x2  }
0xb7: {  	s31 =	sshll.u32 s1, $0xD;
	s1 =	sshrl.u32 s1, $0x2  }
0xb8: {  	s3 =	sand.u32 $0x4000, s31;
	s1 =	sadd.s32 s1, s30  }
0xb9: {  	s0 =	sor.u32 s3, s0;
	s1 =	sshll.u32 s1, $0x11  }
0xba: {  	s0 =	sor.u32 s1, s0  }
0xbb: {  	s0 =	sadd.s32 $0x8F2B, s0  }
0xbc: {  	[sflag:s0] =	ssyncadd.remote.s32 $0x1  }
0xbd: {  	_ =	sfence.sel $0xFFFF  }
0xbe: {  	[dreg:$0x0] =	wrdreg $0xFFFFFFFF;
	(pc) =	sbr.abs _section_cstart, $3  }
0xbf: {  	[dreg:$0x1] =	wrdreg $0xFFFFFFFF  }
0xc0: {  	_ =	task.clear_ibuf [dreg:s6], $0x2FFFF;
	_ =	strace $0x9FFFFFFF  }
0xc1: {  	(tm) =	ssettm $0x7FFFFFFF  }
tec
execute0_lowered:
.L_overlay_start_1:
0x0: {  	(tag) =	ssettag $0x1  }
0x1: {  	s1 =	srdreg.scid  }
0x2: {  	s0 =	stileid.u32;
	s2 =	rddreg [dreg:$0x0];
	s6 =	simm.s32 $0x1  }
0x3: {  	s9 =	simm.s32 $0x1;
	s10 =	simm.s32 $0x3;
	s1 =	sshll.u32 s1, $0x7  }
0x4: {  	s13 =	simm.s32 $0x0;
	s3 =	sshll.u32 s0, $0x8;
	s4 =	sand.u32 $0x80, s1  }
0x5: {  	s12 =	simm.s32 $0x0;
	s5 =	sadd.s32 $0x404C00, s2;
	s3 =	sor.u32 s3, s4  }
0x6: {  	s1 =	rddreg [dreg:$0x1];
	_ =	strace $0x80000047;
	s8 =	ssub.s32 $0x2000, s3  }
.Ltmp0:
0x7: {  	s4 =	sadd.s32 $0x400, s2;
	s7 =	sand.u32 $0xF80, s8;
	(pc) =	sbr.rel .LBB2_1-.Ltmp0, $4  }
0x8: {  	[sflag:s6] =	ssyncpa.u1 $0x0;
	s11 =	smov.u32 s3;
	p0 =	sne.s32 s7, $0x0  }
0x9: {  	s8 =	sshrl.u32 s8, $0xC;
	s7 =	simm.s32 $0x2;
	s9 =	simm.s32 @!p0 $0x0  }
0xa: {  	[sflag:s7] =	ssyncpa.u1 $0x0;
	p0 =	por $0x0, $0x0;
	s8 =	sadd.s32 s9, s8  }
0xb: {  	vm0 =	vmmov $0xffff;
	[sflag:s10] =	ssyncpa.u1 $0x0;
	s10 =	simm.s32 $0x0;
	s9 =	sadd.s32 $0x1, s8  }
.LBB2_4:
0xc: {  	v5 =	vld.msk [tilespmem:s18+$0x0 ss:$0x1], $0xffff  }
0xd: {  	v6 =	vand.u32 $0x3, v1;
	v7 =	vshrl.u32 v1, $0x2  }
0xe: {  	v3 =	vor.u32 v4, v3;
	vm1 =	veq.s32 v1, $0x80000000;
	v53 =	vand.u32 $0xFFF, v7  }
0xf: {  	v2 =	vor.u32 v2, v3;
	v54 =	vsel vm1, $0xFFFFFFFF, v6;
	v1 =	vsel vm1, $0xFFFFFFFF, v53  }
0x10: {  	v6 =	vshll.u32 v54, $0x7;
	v3 =	vand.u32 $0xFFFFC000, v54;
	v55 =	vand.u32 $0x7F, v1  }
0x11: {  	v1 =	vshll.u32 v1, $0x2;
	v6 =	vand.u32 $0x180, v6;
	v56 =	vshrl.u32 v5, $0x2  }
0x12: {  	v1 =	vand.u32 $0xFFFFFE00, v1;
	vm1 =	veq.s32 v5, $0x80000000;
	v57 =	vand.u32 $0xFFF, v56  }
0x13: {  	v1 =	vadd.s32 v3, v1;
	v5 =	vand.u32 $0x3, v5;
	v3 =	vsel vm1, $0xFFFFFFFF, v57  }
0x14: {  	v1 =	vor.u32 v6, v1;
	v5 =	vsel vm1, $0xFFFFFFFF, v5;
	v58 =	vshll.u32 v3, $0x2  }
0x15: {  	v59 =	vshll.u32 v5, $0x7;
	v5 =	vand.u32 $0xFFFFC000, v5;
	v6 =	vand.u32 $0xFFFFFE00, v58  }
0x16: {  	v1 =	vor.u32 v55, v1;
	v61 =	vand.u32 $0x180, v59;
	v60 =	vadd.s32 v5, v6  }
0x17: {  	[tilespmem:s16], [sflag:$0x1] =	stream.indirect_vreg.gather [hbm4b:s4+s10], $0x1, v0, vm0, $0x4038;
	v62 =	vand.u32 $0x7F, v3;
	v63 =	vor.u32 v61, v60;
	[tilespmem:$0x200] =	vst v63  }
0x18: {  	(ifvalue) =	ssetifvalue $0x7FFFFFFF;
	v0 =	vor.u32 v62, v63  }
0x19: {  	[tilespmem:s15], [sflag:$0x1] =	stream.indirect_vreg.gather [hbm4b:s4+s10], $0x1, v2, vm0, $0x4038;
	[tilespmem:$0x200] =	vst v63  }
0x1a: {  	s29 =	sadd.s32 $0x10, s15;
	(ifvalue) =	ssetifvalue $0x7FFFFFFF  }
0x1b: {  	[tilespmem:s29], [sflag:$0x1] =	stream.indirect_vreg.gather [hbm4b:s4+s10], $0x1, v1, vm0, $0x4038;
	[tilespmem:$0x200] =	vst v63  }
0x1c: {  	s15 =	sadd.s32 $0x10, s29;
	(ifvalue) =	ssetifvalue $0x7FFFFFFF  }
0x1d: {  	[tilespmem:s15], [sflag:$0x1] =	stream.indirect_vreg.gather [hbm4b:s4+s10], $0x1, v0, vm0, $0x4038;
	[tilespmem:$0x200] =	vst v63  }
0x1e: {  	_ =	swait.ge [sflag:s6], $0x80  }
0x1f: {  	s30 =	sshrl.u32 s13, $0x3;
	[sflag:s6] =	ssyncset.done $0x0  }
0x20: {  	s31 =	sand.u32 $0x7, s13;
	s15 =	sadd.s32 s5, s30;
	[sflag:s6] =	ssyncadd.s32 $0xFFFFFF80  }
0x21: {  	[hbm4b:s15+s31] =	stream.linear.scatter [tilespmem:s14], [sflag:$0x3], $0x80, $0x38;
	[tilespmem:$0x200] =	vst v63  }
.LBB2_5:
0x22: {  	s15 =	sadd.s32 $0x1000, s11  }
0x23: {  	p2 =	sgt.s32 s15, $0x1FFF  }
0x24: {  	s15 =	smov.u32 @p2 s3;
	p2 =	sne.s32 s12, s9  }
.Ltmp1:
0x25: {  	p1 =	slt.u32 s12, $0x2;
	(pc) =	sbr.rel @!p2 .LBB2_6-.Ltmp1, $4  }
0x26: {  	s14 =	simm.s32 @!p1 $0x3  }
0x27: {  	s16 =	sadd.s32 $0x1, s12;
	_ =	swait.ge @!p1 [sflag:s14], $0x80  }
0x28: {  	s13 =	smov.u32 s11;
	p0 =	por !p0, !p0;
	[sflag:s14] =	ssyncset.done @!p1 $0x0  }
0x29: {  	s12 =	smov.u32 s16;
	s11 =	smov.u32 s15;
	[sflag:s14] =	ssyncadd.s32 @!p1 $0xFFFFFF80  }
.LBB2_1:
0x2a: {  	p1 =	sge.u32 s12, s8  }
0x2b: {  	s14 =	sxor.u32 @!p1 $0xFFFFFFFF, s12  }
0x2c: {  	s31 =	sadd.s32 $0xFFFFFFFF, s12;
	s15 =	sshrl.u32 @!p1 s11, $0x3;
	s14 =	sshll.u32 @!p1 s14, $0x7  }
0x2d: {  	s16 =	sand.u32 @!p1 $0x7, s11;
	s15 =	sadd.s32 @!p1 s2, s15;
	s14 =	sand.u32 @!p1 $0x80, s14  }
0x2e: {  	[tilespmem:s14], [sflag:$0x2] =	stream.linear.gather @!p1 [hbm4b:s15+s16], $0x80, $0x38;
	[tilespmem:$0x200] =	vst v63  }
0x2f: {  	p1 =	sge.u32 s31, s8  }
.Ltmp2:
0x30: {  	_ = 	snop;
	(pc) =	sbr.rel @p1 .LBB2_5-.Ltmp2, $1  }
0x31: {  	_ =	sdelay $0x3  }
0x32: {  	s14 =	simm.s32 $0x1  }
0x33: {  	_ =	swait.ge [sflag:s7], $0x80;
	s14 =	simm.s32 @!p0 $0x0  }
0x34: {  	[sflag:s7] =	ssyncset.done $0x0;
	s14 =	sshll.u32 s14, $0x7  }
0x35: {  	[sflag:s7] =	ssyncadd.s32 $0xFFFFFF80;
	(ifvalue) =	ssetifvalue $0x7FFFFFFF;
	v0 =	vld.msk [tilespmem:s14+$0x0 ss:$0x1], $0xffff;
	_ =	sdelay $0x4  }
0x36: {  	s15 =	sadd.s32 $0x10, s14;
	v2 =	vshrl.u32 v0, $0x2  }
0x37: {  	v1 =	vld.msk [tilespmem:s15+$0x0 ss:$0x1], $0xffff;
	vm1 =	veq.s32 v0, $0x80000000;
	v2 =	vand.u32 $0xFFF, v2  }
0x38: {  	v0 =	vand.u32 $0x3, v0;
	v2 =	vsel vm1, $0xFFFFFFFF, v2  }
0x39: {  	v0 =	vsel vm1, $0xFFFFFFFF, v0;
	v3 =	vshll.u32 v2, $0x2  }
0x3a: {  	v4 =	vand.u32 $0xFFFFC000, v0;
	v0 =	vshll.u32 v0, $0x7;
	v3 =	vand.u32 $0xFFFFFE00, v3  }
0x3b: {  	v0 =	vand.u32 $0x180, v0;
	v3 =	vadd.s32 v4, v3  }
0x3c: {  	v2 =	vand.u32 $0x7F, v2;
	v4 =	vshrl.u32 v1, $0x2;
	v0 =	vor.u32 v0, v3  }
0x3d: {  	vm1 =	veq.s32 v1, $0x80000000;
	v4 =	vand.u32 $0xFFF, v4;
	v0 =	vor.u32 v2, v0  }
0x3e: {  	s16 =	sshll.u32 s12, $0x7;
	s15 =	sadd.s32 $0x10, s15;
	v1 =	vand.u32 $0x3, v1;
	v3 =	vsel vm1, $0xFFFFFFFF, v4  }
0x3f: {  	s17 =	sand.u32 $0x80, s16;
	v2 =	vsel vm1, $0xFFFFFFFF, v1;
	v1 =	vld.msk [tilespmem:s15+$0x0 ss:$0x1], $0xffff;
	v4 =	vshll.u32 v3, $0x2  }
0x40: {  	s16 =	sor.u32 $0x100, s14;
	s14 =	sor.u32 $0x100, s17;
	s17 =	simm.s32 $0x30;
	v5 =	vshll.u32 v2, $0x7;
	v6 =	vand.u32 $0xFFFFC000, v2;
	v4 =	vand.u32 $0xFFFFFE00, v4  }
0x41: {  	s18 =	sadd.s32 $0x10, s15;
	(ifvalue) =	ssetifvalue $0x7FFFFFFF;
	s15 =	sadd.s32 $0x10, s16;
	v2 =	vand.u32 $0x7F, v3;
	v3 =	vadd.s32 v6, v4;
	v4 =	vand.u32 $0x180, v5  }
.LBB2_3:
0x42: {  	[tilespmem:s16], [sflag:$0x1] =	stream.indirect_vreg.gather [hbm4b:s4+s10], $0x1, v0, vm0, $0x4038;
	[tilespmem:$0x200] =	vst v63  }
0x43: {  	s17 =	sadd.s32 $0x10, s17  }
0x44: {  	v5 =	vand.u32 $0x3, v1;
	v6 =	vshrl.u32 v1, $0x2;
	v3 =	vor.u32 v4, v3;
	v0 =	vmovc v1;
	v1 =	vld.msk [tilespmem:s18+$0x0 ss:$0x1], $0xffff;
	p1 =	slt.u32 s17, $0x70  }
.Ltmp3:
0x45: {  	s16 =	smov.u32 s15;
	vm1 =	veq.s32 v0, $0x80000000;
	v4 =	vand.u32 $0xFFF, v6;
	v0 =	vor.u32 v2, v3;
	(pc) =	sbr.rel @p1 .LBB2_3-.Ltmp3, $4  }
0x46: {  	v3 =	vsel vm1, $0xFFFFFFFF, v5;
	v4 =	vsel vm1, $0xFFFFFFFF, v4  }
0x47: {  	v2 =	vand.u32 $0x7F, v4;
	v4 =	vshll.u32 v4, $0x2;
	v5 =	vshll.u32 v3, $0x7  }
0x48: {  	v3 =	vand.u32 $0xFFFFC000, v3;
	v4 =	vand.u32 $0xFFFFFE00, v4  }
0x49: {  	s18 =	sadd.s32 $0x10, s18;
	s15 =	sadd.s32 $0x10, s15;
	v3 =	vadd.s32 v3, v4;
	v4 =	vand.u32 $0x180, v5;
	(ifvalue) =	ssetifvalue $0x7FFFFFFF  }
.Ltmp4:
0x4a: {  	_ = 	snop;
	(pc) =	sbr.rel .LBB2_4-.Ltmp4, $1  }
0x4b: {  	_ =	sdelay $0x3  }
.LBB2_6:
0x4c: {  	_ =	sfence.sel $0x180000  }
0x4d: {  	s2 =	simm.s32 $0x2;
	[bflag:$0x0] =	sbarrier.arrive $0xFFFF  }
0x4e: {  	s30 =	simm.s32 $0x3;
	[sflag:s2] =	ssyncpa.u1 $0x1  }
0x4f: {  	s31 =	simm.s32 $0x1;
	[sflag:s30] =	ssyncpa.u1 $0x1  }
0x50: {  	[sflag:s31] =	ssyncpa.u1 $0x1  }
0x51: {  	p0 =	sne.s32 s0, $0x0;
	_ =	strace $0x90000047  }
0x52: {  	s0 =	sadd.s32 @!p0 $0x100000, s1;
	[bflag:$0x2] =	sbarrier.arrive $0xFFFF  }
0x53: {  	[sflag:s0] =	ssyncadd.tile.s32 @!p0 $0x1;
	_ =	shalt  }
.Lfunc_end2:
_tile_overlayer_lowered:
.L_overlay_start_2:
0x54: {  	(tag) =	ssettag $0x2  }
0x55: {  	s0 =	rddreg [dreg:$0x0];
	s2 =	stileid.u32  }
0x56: {  	s1 =	rddreg [dreg:$0x1];
	p0 =	sne.s32 s2, $0x0  }
0x57: {  	s3 =	rddreg [dreg:$0x2];
	[bflag:$0x3] =	sbarrier.arrive $0xFFFF;
	s2 =	simm.s32 @!p0 $0x1C01  }
0x58: {  	[timem:s3], [sflag:s2] =	dma.local @!p0 [hbm:s0], s1  }
0x59: {  	s0 =	simm.s32 @!p0 $0x1  }
0x5a: {  	_ =	swait.ge @!p0 [sflag:s0], s1  }
0x5b: {  	s1 =	ssub.s32 @!p0 $0x0, s1;
	[sflag:s0] =	ssyncset.done @!p0 $0x0  }
0x5c: {  	[sflag:s0] =	ssyncadd.s32 @!p0 s1  }
0x5d: {  	[bflag:$0x3] =	sbarrier.arrive $0xFFFF  }
0x5e: {  	_ =	shalt  }

// kernel: kernel.4.cloned.1.call-start
scs
__scs_entry_jumppad:
0x0: {  	(pc) =	sbr.rel $0x88, $3  }
0x1: {  	(tag) =	ssettag $0x0;
	lr =	simm.s32 $0x1  }
0x2: {  	[smem:$0x3F9F] =	sst lr;
	_ =	strace $0xD0000000  }
0x3: {  	_ = 	snop  }
0x4: {  	_ = 	snop  }
0x5: {  	_ = 	snop  }
0x6: {  	_ = 	snop  }
0x7: {  	_ = 	snop  }
__scs_overlays_trampoline_lowered:
0x8: {  	[smem:$0x3FAE] =	sst s0  }
0x9: {  	[smem:$0x3FAF] =	sst s1  }
0xa: {  	[smem:$0x3FB0] =	sst s2  }
0xb: {  	[smem:$0x3FB1] =	sst s3  }
0xc: {  	[smem:$0x3FB2] =	sst s4  }
0xd: {  	[smem:$0x3FB3] =	sst s5  }
0xe: {  	[smem:$0x3FB4] =	sst s6  }
0xf: {  	[smem:$0x3FB5] =	sst s7  }
0x10: {  	[smem:$0x3FB6] =	sst s8  }
0x11: {  	[smem:$0x3FB7] =	sst s9;
	s0 =	simm.s32 @!p0 $0x0  }
0x12: {  	s1 =	sld [smem:$0x3F9D];
	s0 =	simm.s32 @p0 $0x1  }
0x13: {  	[smem:$0x3FB8] =	sst s0;
	s0 =	simm.s32 @!p1 $0x0  }
0x14: {  	s2 =	sld [smem:$0x3F9C];
	s0 =	simm.s32 @p1 $0x1  }
0x15: {  	[smem:$0x3FB9] =	sst s0;
	s0 =	simm.s32 @!p2 $0x0  }
0x16: {  	s3 =	sld [smem:$0x3FDB];
	s0 =	simm.s32 @p2 $0x1  }
0x17: {  	s4 =	simm.s32 $0x1BF5;
	[smem:$0x3FBB] =	sst s0  }
0x18: {  	s0 =	sld [smem:$0x3F9E];
	_ =	swait.ge [sflag:s4], $0x0  }
0x19: {  	s7 =	sld [smem:$0x3F9F]  }
0x1a: {  	s8 =	sadd.s32 $0xFFFFE003, lr  }
0x1b: {  	s9 =	sadd.s32 $0xFFFFFEF7, lr;
	s5 =	simm.s32 $0xFFFFFFFF;
	p2 =	slt.u32 s8, $0xFFFFF086  }
0x1c: {  	p1 =	slt.u32 s9, $0xF7A;
	s5 =	simm.s32 @!p2 $0x0  }
0x1d: {  	s5 =	simm.s32 @p1 $0x1;
	p0 =	seq.s32 s7, s2  }
0x1e: {  	s7 =	smul.u32 @!p0 $0xF7A, s2;
	p2 =	seq.s32 @!p0 s5, $0x0  }
0x1f: {  	s9 =	smul.u32 $0xF7A, s1;
	s8 =	simm.s32 @!p0 $0x1BF5;
	p2 =	por !p2, p0  }
0x20: {  	[sflag:s8] =	ssyncset.s32 @!p0 $0xFFFFF086;
	s6 =	sadd.s32 @!p0 s3, s7;
	s7 =	simm.s32 @!p0 $0x108  }
0x21: {  	s3 =	sadd.s32 s3, s9;
	s6 =	sadd.s32 @!p0 $0x88, s6;
	s7 =	simm.s32 @p2 $0x1082  }
0x22: {  	[simem:s7], [sflag:s8] =	dma.local @!p0 [hbm:s6], $0xF7A  }
0x23: {  	s9 =	sor.u32 $0xD0000000, s2;
	s6 =	simm.s32 $0x108;
	_ =	swait.ge @!p0 [sflag:s8], $0x0  }
0x24: {  	s3 =	sadd.s32 $0x88, s3;
	s6 =	simm.s32 @!p1 $0x1082;
	[sflag:s4] =	ssyncset.s32 $0xFFFFF086  }
0x25: {  	[simem:s6], [sflag:s4] =	dma.local [hbm:s3], $0xF7A  }
0x26: {  	[smem:$0x3F9F] =	sst s1;
	(tag) =	ssettag s2;
	_ =	strace s9  }
0x27: {  	s1 =	sld [smem:$0x3FAF]  }
0x28: {  	s2 =	sld [smem:$0x3FB0]  }
0x29: {  	s4 =	sld [smem:$0x3FB2]  }
0x2a: {  	p0 =	seq.s32 s5, $0x0;
	s5 =	sld [smem:$0x3FB3]  }
0x2b: {  	s6 =	sld [smem:$0x3FB4]  }
0x2c: {  	s7 =	sld [smem:$0x3FB5]  }
0x2d: {  	s3 =	simm.s32 $0x108;
	s8 =	sld [smem:$0x3FB6]  }
0x2e: {  	s3 =	simm.s32 @!p0 $0x1082;
	s9 =	sld [smem:$0x3FB7]  }
0x2f: {  	lr =	sadd.s32 s0, s3;
	s0 =	sld [smem:$0x3FAE]  }
0x30: {  	s3 =	sld [smem:$0x3FB1]  }
0x31: {  	[smem:$0x3FBA] =	sst s10  }
0x32: {  	s10 =	sld [smem:$0x3FB8];
	_ =	sdelay $0x3  }
0x33: {  	p0 =	seq.s32 s10, $0x1;
	s10 =	sld [smem:$0x3FBA];
	_ =	sdelay $0x3  }
0x34: {  	[smem:$0x3FBA] =	sst s10  }
0x35: {  	s10 =	sld [smem:$0x3FB9];
	_ =	sdelay $0x3  }
0x36: {  	p1 =	seq.s32 s10, $0x1;
	s10 =	sld [smem:$0x3FBA];
	_ =	sdelay $0x3  }
0x37: {  	[smem:$0x3FBA] =	sst s10  }
0x38: {  	s10 =	sld [smem:$0x3FBB]  }
0x39: {  	_ = 	snop;
	(pc) =	sbr.ind lr, $3  }
0x3a: {  	_ = 	snop  }
0x3b: {  	_ = 	snop  }
0x3c: {  	p2 =	seq.s32 s10, $0x1;
	s10 =	sld [smem:$0x3FBA]  }
0x3d: {  	_ =	shalt  }
0x3e: {  	_ =	shalt  }
0x3f: {  	_ =	shalt  }
0x40: {  	_ =	shalt  }
0x41: {  	_ =	shalt  }
0x42: {  	_ =	shalt  }
0x43: {  	_ =	shalt  }
0x44: {  	_ =	shalt  }
0x45: {  	_ =	shalt  }
0x46: {  	_ =	shalt  }
0x47: {  	_ =	shalt  }
0x48: {  	_ =	shalt  }
0x49: {  	_ =	shalt  }
0x4a: {  	_ =	shalt  }
0x4b: {  	_ =	shalt  }
0x4c: {  	_ =	shalt  }
0x4d: {  	_ =	shalt  }
0x4e: {  	_ =	shalt  }
0x4f: {  	_ =	shalt  }
0x50: {  	_ =	shalt  }
0x51: {  	_ =	shalt  }
0x52: {  	_ =	shalt  }
0x53: {  	_ =	shalt  }
0x54: {  	_ =	shalt  }
0x55: {  	_ =	shalt  }
0x56: {  	_ =	shalt  }
0x57: {  	_ =	shalt  }
0x58: {  	_ =	shalt  }
0x59: {  	_ =	shalt  }
0x5a: {  	_ =	shalt  }
0x5b: {  	_ =	shalt  }
0x5c: {  	_ =	shalt  }
0x5d: {  	_ =	shalt  }
0x5e: {  	_ =	shalt  }
0x5f: {  	_ =	shalt  }
0x60: {  	_ =	shalt  }
0x61: {  	_ =	shalt  }
0x62: {  	_ =	shalt  }
0x63: {  	_ =	shalt  }
0x64: {  	_ =	shalt  }
0x65: {  	_ =	shalt  }
0x66: {  	_ =	shalt  }
0x67: {  	_ =	shalt  }
0x68: {  	_ =	shalt  }
0x69: {  	_ =	shalt  }
0x6a: {  	_ =	shalt  }
0x6b: {  	_ =	shalt  }
0x6c: {  	_ =	shalt  }
0x6d: {  	_ =	shalt  }
0x6e: {  	_ =	shalt  }
0x6f: {  	_ =	shalt  }
0x70: {  	_ =	shalt  }
0x71: {  	_ =	shalt  }
0x72: {  	_ =	shalt  }
0x73: {  	_ =	shalt  }
0x74: {  	_ =	shalt  }
0x75: {  	_ =	shalt  }
0x76: {  	_ =	shalt  }
0x77: {  	_ =	shalt  }
0x78: {  	_ =	shalt  }
0x79: {  	_ =	shalt  }
0x7a: {  	_ =	shalt  }
0x7b: {  	_ =	shalt  }
0x7c: {  	_ =	shalt  }
0x7d: {  	_ =	shalt  }
0x7e: {  	_ =	shalt  }
0x7f: {  	_ =	shalt  }
0x80: {  	_ =	shalt  }
0x81: {  	_ =	shalt  }
0x82: {  	_ =	shalt  }
0x83: {  	_ =	shalt  }
0x84: {  	_ =	shalt  }
0x85: {  	_ =	shalt  }
0x86: {  	_ =	shalt  }
0x87: {  	_ =	shalt  }
.Lfunc_end0:
.L_simem_size_0:
called_computation.1_lowered:
.L_overlay_start_0:
0x88: {  	s2 =	sld [smem:$0x3FD9]  }
0x89: {  	s3 =	sld [smem:$0x3FFE];
	_ =	sdelay $0x1  }
0x8a: {  	s1 =	srdreg.scid  }
0x8b: {  	s0 =	sand.u32 $0x1, s1  }
0x8c: {  	s17 =	sshll.u32 s0, $0xA;
	s2 =	sadd.s32 s3, s2  }
0x8d: {  	s2 =	sadd.s32 s2, s17  }
0x8e: {  	[smem:$0x3FC6] =	sst s2  }
0x8f: {  	_ = 	snop  }
0x90: {  	s2 =	sld [smem:$0x3FD0];
	(tm) =	ssettm $0x1  }
0x91: {  	s18 =	sld [smem:$0x3FFB];
	_ =	sdelay $0x3  }
0x92: {  	_ =	strace s18  }
0x93: {  	s3 =	sld [smem:$0x3FFC];
	_ =	sdelay $0x3  }
0x94: {  	_ =	strace s3  }
0x95: {  	s3 =	sld [smem:$0x3FFD];
	_ =	sdelay $0x3  }
0x96: {  	_ =	strace s3  }
0x97: {  	_ =	strace $0x8FFFFFFF  }
0x98: {  	s19 =	sld [smem:$0x3FDB];
	_ =	sdelay $0x1  }
0x99: {  	s4 =	simm.s32 $_scs_section_size  }
0x9a: {  	s5 =	simm.s32 $_size__tile_overlayer_lowered;
	s6 =	simm.s32 $_tile_overlayer_lowered  }
0x9b: {  	s22 =	simm.s32 $0x1BFF;
	s21 =	sshll.u32 s6, $0x1;
	s3 =	sadd.s32 s4, s19  }
0x9c: {  	s7 =	simm.s32 $0x0;
	s20 =	sshll.u32 s5, $0x1;
	s5 =	sadd.s32 s21, s3  }
0x9d: {  	[timem:s7], [sflag:s22] =	dma.local [hbm:s5], s20  }
0x9e: {  	_ =	swait.ge [sflag:s22], s20  }
0x9f: {  	s4 =	ssub.s32 $0x0, s20;
	[sflag:s22] =	ssyncset.done $0x0  }
0xa0: {  	[sflag:s22] =	ssyncadd.s32 s4;
	_ =	sdelay $0x1  }
0xa1: {  	s23 =	simm.s32 $0x1B8B  }
0xa2: {  	_ =	swait.ge [sflag:s23], $0x1  }
0xa3: {  	[sflag:s23] =	ssyncset.done $0x0  }
0xa4: {  	s25 =	simm.s32 $0x1B8E;
	s24 =	sld [smem:$0x3FFE];
	[sflag:s23] =	ssyncadd.s32 $0xFFFFFFFF  }
0xa5: {  	s26 =	simm.s32 $execute0_lowered;
	[smem:$0x3FD2] =	sst s25  }
0xa6: {  	s5 =	sshll.u32 s26, $0x1;
	_ =	strace $0x80000049;
	[dreg:$0x1] =	wrdreg $0xFFFFFFFF  }
0xa7: {  	s28 =	simm.s32 $_size_execute0_lowered;
	s3 =	sadd.s32 s3, s5;
	[dreg:$0x0] =	wrdreg $0x0  }
0xa8: {  	s5 =	sshll.u32 s28, $0x1;
	[dreg:$0x2] =	wrdreg s3  }
0xa9: {  	[dreg:$0x3] =	wrdreg s5  }
0xaa: {  	[dreg:$0x4] =	wrdreg $0xC0  }
0xab: {  	_ =	task [dreg:s7], $0x5FFFF  }
0xac: {  	[dreg:$0x1] =	wrdreg $0xFFFFFFFF  }
0xad: {  	[dreg:$0x0] =	wrdreg $0x60  }
0xae: {  	[dreg:$0x2] =	wrdreg s24  }
0xaf: {  	[dreg:$0x3] =	wrdreg s2  }
0xb0: {  	[dreg:$0x4] =	wrdreg $0xB8000  }
0xb1: {  	[dreg:$0x5] =	wrdreg $0x9  }
0xb2: {  	_ =	task.clear_ibuf [dreg:s7], $0x6FFFF;
	_ =	strace $0x90000049  }
0xb3: {  	s29 =	simm.s32 $0x9;
	_ =	strace $0x8000004B  }
0xb4: {  	_ =	swait.ge [sflag:s29], $0x1  }
0xb5: {  	[sflag:s29] =	ssyncadd.s32 $0xFFFFFFFF  }
0xb6: {  	_ =	strace $0x9000004B  }
0xb7: {  	_ =	sfence  }
0xb8: {  	s30 =	sld [smem:$0x0];
	_ =	sdelay $0x2  }
0xb9: {  	s31 =	sshll.u32 s1, $0xD;
	s1 =	sshrl.u32 s1, $0x2  }
0xba: {  	s3 =	sand.u32 $0x4000, s31;
	s1 =	sadd.s32 s1, s30  }
0xbb: {  	s0 =	sor.u32 s3, s0;
	s1 =	sshll.u32 s1, $0x11  }
0xbc: {  	s0 =	sor.u32 s1, s0  }
0xbd: {  	s0 =	sadd.s32 $0x8F2B, s0  }
0xbe: {  	[sflag:s0] =	ssyncadd.remote.s32 $0x1  }
0xbf: {  	_ =	sfence.sel $0xFFFF  }
0xc0: {  	[dreg:$0x0] =	wrdreg $0xFFFFFFFF;
	(pc) =	sbr.abs _section_cstart, $3  }
0xc1: {  	[dreg:$0x1] =	wrdreg $0xFFFFFFFF  }
0xc2: {  	_ =	task.clear_ibuf [dreg:s7], $0x2FFFF;
	_ =	strace $0x9FFFFFFF  }
0xc3: {  	(tm) =	ssettm $0x7FFFFFFF  }
tec
execute0_lowered:
.L_overlay_start_1:
0x0: {  	(tag) =	ssettag $0x1  }
0x1: {  	s0 =	rddreg [dreg:$0x0]  }
0x2: {  	s2 =	rddreg [dreg:$0x1]  }
0x3: {  	s1 =	rddreg [dreg:$0x2];
	s4 =	srdreg.scid;
	s3 =	simm.s32 $0x0  }
0x4: {  	s15 =	stileid.u32;
	s13 =	simm.s32 $0x1;
	s16 =	simm.s32 $0x1000  }
0x5: {  	s18 =	simm.s32 $0x3;
	s19 =	simm.s32 $0x80;
	s20 =	simm.s32 $0x800  }
0x6: {  	s28 =	simm.s32 $0x0;
	s6 =	sand.u32 $0x1, s4;
	[smem:$0x7FF] =	sst s3  }
0x7: {  	s5 =	sshll.u32 s15, $0x5;
	s11 =	sshll.u32 s15, $0x4;
	s12 =	sand.u32 $0x7, s15  }
0x8: {  	s17 =	sshll.u32 s15, $0x11;
	s4 =	sshll.u32 s6, $0x4;
	s23 =	sshll.u32 s6, $0xD  }
0x9: {  	_ =	strace $0x8000004A;
	s25 =	sshll.u32 s6, $0xC;
	p1 =	sne.s32 s12, $0x0  }
0xa: {  	s26 =	ssub.s32 $0x2, s6;
	s30 =	sshll.u32 s12, $0x12;
	s31 =	sshll.u32 s12, $0xF  }
0xb: {  	s12 =	simm.s32 $0x1;
	s7 =	sor.u32 s15, s4;
	s9 =	sor.u32 s5, s23  }
0xc: {  	s4 =	sadd.s32 $0x2C00, s0;
	s5 =	sor.u32 s11, s25;
	p0 =	seq.s32 s7, $0x0  }
0xd: {  	s6 =	sshrl.u32 s26, $0x1;
	s15 =	simm.s32 $0x100;
	p0 =	por !p1, !p0  }
0xe: {  	s25 =	sshrl.u32 s17, $0x2;
	s8 =	sshll.u32 s7, $0x8;
	p0 =	por !p0, !p0  }
0xf: {  	s24 =	sadd.s32 s9, s0;
	s7 =	sshrl.u32 s7, $0x3;
	s13 =	simm.s32 @!p0 $0x0  }
0x10: {  	s11 =	sadd.s32 s5, s0;
	s5 =	sadd.s32 $0x40B000, s0;
	s13 =	ssub.s32 s7, s13  }
0x11: {  	s9 =	sadd.s32 s2, s9;
	s10 =	sadd.s32 s8, s0;
	s14 =	smul.u32 $0x600000, s13  }
0x12: {  	s0 =	ssub.s32 s26, s6;
	s6 =	sadd.s32 $0x405000, s24;
	s29 =	smul.u32 $0xC0000, s13  }
0x13: {  	s8 =	sadd.s32 $0x409000, s11;
	s24 =	simm.s32 $0x4800;
	s7 =	sadd.s32 $0x402C00, s11  }
0x14: {  	s11 =	smax.u32 s0, $0x1;
	s0 =	sor.u32 s30, s14;
	s2 =	sadd.s32 s29, s5  }
0x15: {  	s26 =	simm.s32 $0x2;
	s0 =	sshrl.u32 s0, $0x3;
	s2 =	sadd.s32 s31, s2  }
0x16: {  	s10 =	sadd.s32 $0xC00, s10;
	s13 =	sadd.s32 s0, s5;
	s14 =	sadd.s32 $0x800, s2  }
.LBB2_1:
0x17: {  	s0 =	simm.s32 $0x8800  }
0x18: {  	[tilespmem:s0], [sflag:$0x3] =	stream.strided.gather [hbm4b:s6+s15], $0x1000, s16, s15, $0x38;
	[tilespmem:$0x1B800] =	vst v63  }
0x19: {  	_ =	swait.ge [sflag:s18], $0x1000  }
0x1a: {  	[sflag:s18] =	ssyncset.done $0x0  }
0x1b: {  	s21 =	simm.s32 $0x9800;
	[sflag:s18] =	ssyncadd.s32 $0xFFFFF000  }
0x1c: {  	[tilespmem:s21], [sflag:$0x3] =	stream.strided.gather [hbm4b:s7+s19], $0x800, s20, s19, $0x38;
	[tilespmem:$0x1B800] =	vst v63  }
0x1d: {  	_ =	swait.ge [sflag:s18], $0x800  }
0x1e: {  	[sflag:s18] =	ssyncset.done $0x0  }
0x1f: {  	s22 =	simm.s32 $0xA000;
	[sflag:s18] =	ssyncadd.s32 $0xFFFFF800  }
0x20: {  	[tilespmem:s22], [sflag:$0x3] =	stream.strided.gather [hbm4b:s8+s19], $0x800, s20, s19, $0x38;
	[tilespmem:$0x1B800] =	vst v63  }
0x21: {  	_ =	swait.ge [sflag:s18], $0x800  }
0x22: {  	[sflag:s18] =	ssyncset.done $0x0  }
0x23: {  	s23 =	simm.s32 $0xA800;
	[sflag:s18] =	ssyncadd.s32 $0xFFFFF800  }
0x24: {  	[tilespmem:s23], [sflag:$0x3] =	stream.strided.gather [hbm4b:s9+s15], $0x1000, s16, s15, $0x38;
	[tilespmem:$0x1B800] =	vst v63  }
0x25: {  	_ =	swait.ge [sflag:s18], $0x1000  }
0x26: {  	[sflag:s18] =	ssyncset.done $0x0  }
0x27: {  	[sflag:s18] =	ssyncadd.s32 $0xFFFFF000  }
0x28: {  	[tilespmem:s3], [sflag:$0x3] =	stream.linear.gather [hbm4b:s10+s3], $0x800, $0x38;
	[tilespmem:$0x1B800] =	vst v63  }
0x29: {  	_ =	swait.ge [sflag:s18], $0x800  }
0x2a: {  	[sflag:s18] =	ssyncset.done $0x0  }
0x2b: {  	[sflag:s18] =	ssyncadd.s32 $0xFFFFF800  }
0x2c: {  	[tilespmem:s20], [sflag:$0x1] =	stream.indirect.gather [hbm4b:s4+s19], $0x80, s3, s19, $0xb8;
	[tilespmem:$0x1B800] =	vst v63  }
0x2d: {  	s29 =	simm.s32 $0x80  }
0x2e: {  	[tilespmem:s24], [sflag:$0x2] =	stream.indirect.gather [hbm4b:s4+s19], $0x80, s29, s19, $0xb8;
	[tilespmem:$0x1B800] =	vst v63  }
0x2f: {  	_ =	swait.ge [sflag:s12], $0x4000  }
0x30: {  	[sflag:s12] =	ssyncset.done $0x0  }
0x31: {  	s30 =	sadd.s32 $0x0, s13;
	[sflag:s12] =	ssyncadd.s32 $0xFFFFC000  }
0x32: {  	[hbm4b:s30+s3] =	stream.linear.scatter [tilespmem:s20], [sflag:$0x3], $0x4000, $0x38;
	[tilespmem:$0x1B800] =	vst v63  }
0x33: {  	_ =	swait.ge [sflag:s18], $0x4000  }
0x34: {  	[sflag:s18] =	ssyncset.done $0x0  }
0x35: {  	[sflag:s18] =	ssyncadd.s32 $0xFFFFC000  }
0x36: {  	_ =	swait.ge [sflag:s26], $0x4000  }
0x37: {  	[sflag:s26] =	ssyncset.done $0x0  }
0x38: {  	s31 =	sadd.s32 $0x0, s14;
	[sflag:s26] =	ssyncadd.s32 $0xFFFFC000  }
0x39: {  	[hbm4b:s31+s3] =	stream.linear.scatter [tilespmem:s24], [sflag:$0x3], $0x4000, $0x38;
	[tilespmem:$0x1B800] =	vst v63  }
0x3a: {  	_ =	swait.ge [sflag:s18], $0x4000  }
0x3b: {  	s2 =	simm.s32 $0x0;
	s0 =	simm.s32 $0x1000;
	[sflag:s18] =	ssyncset.done $0x0  }
.LBB2_2:
0x3c: {  	p0 =	sne.s32 s0, $0x7000;
	[sflag:s18] =	ssyncadd.s32 $0xFFFFC000;
	s2 =	sadd.s32 $0x100, s2  }
0x3d: {  	[tilespmem:s20], [sflag:$0x1] =	stream.indirect.gather [hbm4b:s4+s19], $0x80, s2, s19, $0xb8;
	[tilespmem:$0x1B800] =	vst v63  }
0x3e: {  	s29 =	smov.u32 s0;
	s0 =	sadd.s32 $0x1000, s0;
	s17 =	sadd.s32 $0x80, s2  }
0x3f: {  	[tilespmem:s24], [sflag:$0x2] =	stream.indirect.gather [hbm4b:s4+s19], $0x80, s17, s19, $0xb8;
	[tilespmem:$0x1B800] =	vst v63  }
0x40: {  	_ =	swait.ge [sflag:s12], $0x4000  }
0x41: {  	[sflag:s12] =	ssyncset.done $0x0  }
0x42: {  	s30 =	sadd.s32 s29, s13;
	s17 =	simm.s32 $0x0;
	[sflag:s12] =	ssyncadd.s32 $0xFFFFC000  }
0x43: {  	[hbm4b:s30+s17] =	stream.linear.scatter [tilespmem:s20], [sflag:$0x3], $0x4000, $0x38;
	[tilespmem:$0x1B800] =	vst v63  }
0x44: {  	_ =	swait.ge [sflag:s18], $0x4000  }
0x45: {  	[sflag:s18] =	ssyncset.done $0x0  }
0x46: {  	[sflag:s18] =	ssyncadd.s32 $0xFFFFC000  }
0x47: {  	_ =	swait.ge [sflag:s26], $0x4000  }
.Ltmp0:
0x48: {  	[sflag:s26] =	ssyncset.done $0x0;
	(pc) =	sbr.rel @p0 .LBB2_2-.Ltmp0, $4  }
0x49: {  	s29 =	sadd.s32 s29, s14;
	[sflag:s26] =	ssyncadd.s32 $0xFFFFC000  }
0x4a: {  	[hbm4b:s29+s17] =	stream.linear.scatter [tilespmem:s24], [sflag:$0x3], $0x4000, $0x38;
	[tilespmem:$0x1B800] =	vst v63  }
0x4b: {  	_ =	swait.ge [sflag:s18], $0x4000  }
0x4c: {  	[sflag:s18] =	ssyncset.done $0x0  }
0x4d: {  	[sflag:s18] =	ssyncadd.s32 $0xFFFFC000;
	s0 =	simm.s32 $0x8800  }
0x4e: {  	[tilespmem:s20], [sflag:$0x1] =	stream.indirect.gather [hbm4b:s4+s19], $0x80, s0, s19, $0xb8;
	[tilespmem:$0x1B800] =	vst v63  }
0x4f: {  	s2 =	simm.s32 $0x8880  }
0x50: {  	[tilespmem:s24], [sflag:$0x2] =	stream.indirect.gather [hbm4b:s4+s19], $0x80, s2, s19, $0xb8;
	[tilespmem:$0x1B800] =	vst v63  }
0x51: {  	s17 =	sand.u32 $0x80000, s17;
	_ =	swait.ge [sflag:s12], $0x4000  }
0x52: {  	s0 =	sadd.s32 s17, s1;
	[sflag:s12] =	ssyncset.done $0x0  }
0x53: {  	s2 =	sadd.s32 s25, s0;
	[sflag:s12] =	ssyncadd.s32 $0xFFFFC000  }
0x54: {  	[spmem:s2] =	stream.linear.scatter [tilespmem:s20], [sflag:$0x1], $0x4000, $0x38;
	[tilespmem:$0x1B800] =	vst v63  }
0x55: {  	_ =	swait.ge [sflag:s26], $0x4000  }
0x56: {  	[sflag:s26] =	ssyncset.done $0x0  }
0x57: {  	s21 =	sadd.s32 $0x4000, s2;
	[sflag:s26] =	ssyncadd.s32 $0xFFFFC000  }
0x58: {  	[spmem:s21] =	stream.linear.scatter [tilespmem:s24], [sflag:$0x2], $0x4000, $0x38;
	[tilespmem:$0x1B800] =	vst v63  }
0x59: {  	_ =	swait.ge [sflag:s12], $0x4000  }
0x5a: {  	[sflag:s12] =	ssyncset.done $0x0  }
0x5b: {  	[sflag:s12] =	ssyncadd.s32 $0xFFFFC000  }
0x5c: {  	_ =	swait.ge [sflag:s26], $0x4000  }
0x5d: {  	[sflag:s26] =	ssyncset.done $0x0  }
0x5e: {  	[sflag:s26] =	ssyncadd.s32 $0xFFFFC000  }
0x5f: {  	s29 =	simm.s32 $0x9800;
	[bflag:$0x0] =	sbarrier.arrive $0xFFFF  }
0x60: {  	[tilespmem:s20], [sflag:$0x3] =	stream.indirect.gather [hbm4b:s4+s19], $0x80, s29, s19, $0xb8;
	[tilespmem:$0x1B800] =	vst v63  }
0x61: {  	_ =	swait.ge [sflag:s18], $0x4000  }
0x62: {  	[sflag:s18] =	ssyncset.done $0x0  }
0x63: {  	s30 =	simm.s32 $0xA000;
	[sflag:s18] =	ssyncadd.s32 $0xFFFFC000  }
0x64: {  	[spmem:s0] =	stream.indirect.scatter.add.f32 [tilespmem:s20], [sflag:$0x3], $0x80, s30, s19, $0xb8;
	[tilespmem:$0x1B800] =	vst v63  }
0x65: {  	_ =	swait.ge [sflag:s18], $0x4000  }
0x66: {  	[sflag:s18] =	ssyncset.done $0x0  }
0x67: {  	[sflag:s18] =	ssyncadd.s32 $0xFFFFC000  }
0x68: {  	[bflag:$0x0] =	sbarrier.arrive $0xFFFF  }
0x69: {  	[tilespmem:s20], [sflag:$0x1] =	stream.linear.gather [spmem:s2], $0x4000, $0x38;
	[tilespmem:$0x1B800] =	vst v63  }
0x6a: {  	_ = 	snop  }
0x6b: {  	[tilespmem:s24], [sflag:$0x2] =	stream.linear.gather [spmem:s21], $0x4000, $0x38;
	[tilespmem:$0x1B800] =	vst v63  }
0x6c: {  	_ =	swait.ge [sflag:s12], $0x4000  }
0x6d: {  	[sflag:s12] =	ssyncset.done $0x0  }
0x6e: {  	s22 =	simm.s32 $0xA800;
	[sflag:s12] =	ssyncadd.s32 $0xFFFFC000  }
0x6f: {  	[hbm4b:s5+s19] =	stream.indirect.scatter [tilespmem:s20], [sflag:$0x1], $0x80, s22, s19, $0xb8;
	[tilespmem:$0x1B800] =	vst v63  }
0x70: {  	_ =	swait.ge [sflag:s26], $0x4000  }
0x71: {  	[sflag:s26] =	ssyncset.done $0x0  }
0x72: {  	s23 =	simm.s32 $0xA880;
	[sflag:s26] =	ssyncadd.s32 $0xFFFFC000  }
0x73: {  	[hbm4b:s5+s19] =	stream.indirect.scatter [tilespmem:s24], [sflag:$0x2], $0x80, s23, s19, $0xb8;
	[tilespmem:$0x1B800] =	vst v63  }
0x74: {  	_ =	swait.ge [sflag:s12], $0x4000  }
0x75: {  	[sflag:s12] =	ssyncset.done $0x0  }
0x76: {  	s31 =	simm.s32 $0xA080;
	[sflag:s12] =	ssyncadd.s32 $0xFFFFC000  }
0x77: {  	s17 =	simm.s32 $0x8980;
	s0 =	simm.s32 $0x80000;
	_ =	swait.ge [sflag:s26], $0x4000  }
0x78: {  	s30 =	simm.s32 $0xA980;
	s2 =	simm.s32 $0x100000;
	[sflag:s26] =	ssyncset.done $0x0  }
.LBB2_4:
0x79: {  	s21 =	sadd.s32 $0xFFFFFF80, s17;
	[sflag:s26] =	ssyncadd.s32 $0xFFFFC000;
	s29 =	sadd.s32 $0x80, s29  }
0x7a: {  	[tilespmem:s20], [sflag:$0x1] =	stream.indirect.gather [hbm4b:s4+s19], $0x80, s21, s19, $0xb8;
	[tilespmem:$0x1B800] =	vst v63  }
0x7b: {  	p0 =	sne.s32 s2, $0x780000;
	s21 =	smov.u32 s2;
	s2 =	sadd.s32 $0x80000, s2  }
0x7c: {  	[tilespmem:s24], [sflag:$0x2] =	stream.indirect.gather [hbm4b:s4+s19], $0x80, s17, s19, $0xb8;
	[tilespmem:$0x1B800] =	vst v63  }
0x7d: {  	s22 =	sand.u32 $0x80000, s0;
	s0 =	smov.u32 s21;
	_ =	swait.ge [sflag:s12], $0x4000  }
0x7e: {  	s21 =	sadd.s32 s22, s1;
	[sflag:s12] =	ssyncset.done $0x0  }
0x7f: {  	s22 =	sadd.s32 s25, s21;
	[sflag:s12] =	ssyncadd.s32 $0xFFFFC000  }
0x80: {  	[spmem:s22] =	stream.linear.scatter [tilespmem:s20], [sflag:$0x1], $0x4000, $0x38;
	[tilespmem:$0x1B800] =	vst v63  }
0x81: {  	_ =	swait.ge [sflag:s26], $0x4000  }
0x82: {  	[sflag:s26] =	ssyncset.done $0x0  }
0x83: {  	s23 =	sadd.s32 $0x4000, s22;
	[sflag:s26] =	ssyncadd.s32 $0xFFFFC000  }
0x84: {  	[spmem:s23] =	stream.linear.scatter [tilespmem:s24], [sflag:$0x2], $0x4000, $0x38;
	[tilespmem:$0x1B800] =	vst v63  }
0x85: {  	_ =	swait.ge [sflag:s12], $0x4000  }
0x86: {  	[sflag:s12] =	ssyncset.done $0x0  }
0x87: {  	[sflag:s12] =	ssyncadd.s32 $0xFFFFC000  }
0x88: {  	_ =	swait.ge [sflag:s26], $0x4000  }
0x89: {  	[sflag:s26] =	ssyncset.done $0x0  }
0x8a: {  	[sflag:s26] =	ssyncadd.s32 $0xFFFFC000  }
0x8b: {  	[bflag:$0x0] =	sbarrier.arrive $0xFFFF  }
0x8c: {  	[tilespmem:s20], [sflag:$0x3] =	stream.indirect.gather [hbm4b:s4+s19], $0x80, s29, s19, $0xb8;
	[tilespmem:$0x1B800] =	vst v63  }
0x8d: {  	_ =	swait.ge [sflag:s18], $0x4000  }
0x8e: {  	[sflag:s18] =	ssyncset.done $0x0  }
0x8f: {  	[sflag:s18] =	ssyncadd.s32 $0xFFFFC000  }
0x90: {  	[spmem:s21] =	stream.indirect.scatter.add.f32 [tilespmem:s20], [sflag:$0x3], $0x80, s31, s19, $0xb8;
	[tilespmem:$0x1B800] =	vst v63  }
0x91: {  	_ =	swait.ge [sflag:s18], $0x4000  }
0x92: {  	[sflag:s18] =	ssyncset.done $0x0  }
0x93: {  	[sflag:s18] =	ssyncadd.s32 $0xFFFFC000  }
0x94: {  	[bflag:$0x0] =	sbarrier.arrive $0xFFFF  }
0x95: {  	[tilespmem:s20], [sflag:$0x1] =	stream.linear.gather [spmem:s22], $0x4000, $0x38;
	[tilespmem:$0x1B800] =	vst v63  }
0x96: {  	_ = 	snop  }
0x97: {  	[tilespmem:s24], [sflag:$0x2] =	stream.linear.gather [spmem:s23], $0x4000, $0x38;
	[tilespmem:$0x1B800] =	vst v63  }
0x98: {  	_ =	swait.ge [sflag:s12], $0x4000  }
0x99: {  	[sflag:s12] =	ssyncset.done $0x0  }
0x9a: {  	s21 =	sadd.s32 $0xFFFFFF80, s30;
	[sflag:s12] =	ssyncadd.s32 $0xFFFFC000  }
0x9b: {  	[hbm4b:s5+s19] =	stream.indirect.scatter [tilespmem:s20], [sflag:$0x1], $0x80, s21, s19, $0xb8;
	[tilespmem:$0x1B800] =	vst v63  }
0x9c: {  	_ =	swait.ge [sflag:s26], $0x4000  }
0x9d: {  	[sflag:s26] =	ssyncset.done $0x0  }
0x9e: {  	[sflag:s26] =	ssyncadd.s32 $0xFFFFC000  }
0x9f: {  	[hbm4b:s5+s19] =	stream.indirect.scatter [tilespmem:s24], [sflag:$0x2], $0x80, s30, s19, $0xb8;
	[tilespmem:$0x1B800] =	vst v63  }
.Ltmp1:
0xa0: {  	_ =	swait.ge [sflag:s12], $0x4000;
	(pc) =	sbr.rel @p0 .LBB2_4-.Ltmp1, $4  }
0xa1: {  	[sflag:s12] =	ssyncset.done $0x0  }
0xa2: {  	[sflag:s12] =	ssyncadd.s32 $0xFFFFC000  }
0xa3: {  	s30 =	sadd.s32 $0x100, s30;
	_ =	swait.ge [sflag:s26], $0x4000  }
0xa4: {  	s17 =	sadd.s32 $0x100, s17;
	s31 =	sadd.s32 $0x80, s31;
	[sflag:s26] =	ssyncset.done $0x0  }
0xa5: {  	s2 =	sadd.s32 $0xFFFFFF80, s17;
	[sflag:s26] =	ssyncadd.s32 $0xFFFFC000  }
0xa6: {  	[tilespmem:s20], [sflag:$0x1] =	stream.indirect.gather [hbm4b:s4+s19], $0x80, s2, s19, $0xb8;
	[tilespmem:$0x1B800] =	vst v63  }
0xa7: {  	_ = 	snop  }
0xa8: {  	[tilespmem:s24], [sflag:$0x2] =	stream.indirect.gather [hbm4b:s4+s19], $0x80, s17, s19, $0xb8;
	[tilespmem:$0x1B800] =	vst v63  }
0xa9: {  	s0 =	sand.u32 $0x80000, s0;
	_ =	swait.ge [sflag:s12], $0x4000  }
0xaa: {  	s0 =	sadd.s32 s0, s1;
	[sflag:s12] =	ssyncset.done $0x0  }
0xab: {  	s22 =	sadd.s32 s25, s0;
	[sflag:s12] =	ssyncadd.s32 $0xFFFFC000  }
0xac: {  	[spmem:s22] =	stream.linear.scatter [tilespmem:s20], [sflag:$0x1], $0x4000, $0x38;
	[tilespmem:$0x1B800] =	vst v63  }
0xad: {  	_ =	swait.ge [sflag:s26], $0x4000  }
0xae: {  	[sflag:s26] =	ssyncset.done $0x0  }
0xaf: {  	s23 =	sadd.s32 $0x4000, s22;
	[sflag:s26] =	ssyncadd.s32 $0xFFFFC000  }
0xb0: {  	[spmem:s23] =	stream.linear.scatter [tilespmem:s24], [sflag:$0x2], $0x4000, $0x38;
	[tilespmem:$0x1B800] =	vst v63  }
0xb1: {  	_ =	swait.ge [sflag:s12], $0x4000  }
0xb2: {  	[sflag:s12] =	ssyncset.done $0x0  }
0xb3: {  	[sflag:s12] =	ssyncadd.s32 $0xFFFFC000  }
0xb4: {  	_ =	swait.ge [sflag:s26], $0x4000  }
0xb5: {  	[sflag:s26] =	ssyncset.done $0x0  }
0xb6: {  	[sflag:s26] =	ssyncadd.s32 $0xFFFFC000  }
0xb7: {  	s21 =	sadd.s32 $0x80, s29;
	[bflag:$0x0] =	sbarrier.arrive $0xFFFF  }
0xb8: {  	[tilespmem:s20], [sflag:$0x3] =	stream.indirect.gather [hbm4b:s4+s19], $0x80, s21, s19, $0xb8;
	[tilespmem:$0x1B800] =	vst v63  }
0xb9: {  	_ =	swait.ge [sflag:s18], $0x4000  }
0xba: {  	[sflag:s18] =	ssyncset.done $0x0  }
0xbb: {  	[sflag:s18] =	ssyncadd.s32 $0xFFFFC000  }
0xbc: {  	[spmem:s0] =	stream.indirect.scatter.add.f32 [tilespmem:s20], [sflag:$0x3], $0x80, s31, s19, $0xb8;
	[tilespmem:$0x1B800] =	vst v63  }
0xbd: {  	_ =	swait.ge [sflag:s18], $0x4000  }
0xbe: {  	[sflag:s18] =	ssyncset.done $0x0  }
0xbf: {  	[sflag:s18] =	ssyncadd.s32 $0xFFFFC000  }
0xc0: {  	[bflag:$0x0] =	sbarrier.arrive $0xFFFF  }
0xc1: {  	[tilespmem:s20], [sflag:$0x1] =	stream.linear.gather [spmem:s22], $0x4000, $0x38;
	[tilespmem:$0x1B800] =	vst v63  }
0xc2: {  	_ = 	snop  }
0xc3: {  	[tilespmem:s24], [sflag:$0x2] =	stream.linear.gather [spmem:s23], $0x4000, $0x38;
	[tilespmem:$0x1B800] =	vst v63  }
0xc4: {  	_ =	swait.ge [sflag:s12], $0x4000  }
0xc5: {  	[sflag:s12] =	ssyncset.done $0x0  }
0xc6: {  	s31 =	sadd.s32 $0xFFFFFF80, s30;
	[sflag:s12] =	ssyncadd.s32 $0xFFFFC000  }
0xc7: {  	[hbm4b:s5+s19] =	stream.indirect.scatter [tilespmem:s20], [sflag:$0x1], $0x80, s31, s19, $0xb8;
	[tilespmem:$0x1B800] =	vst v63  }
0xc8: {  	_ =	swait.ge [sflag:s26], $0x4000  }
0xc9: {  	[sflag:s26] =	ssyncset.done $0x0  }
0xca: {  	s28 =	sadd.s32 $0x1, s28;
	[sflag:s26] =	ssyncadd.s32 $0xFFFFC000  }
0xcb: {  	[hbm4b:s5+s19] =	stream.indirect.scatter [tilespmem:s24], [sflag:$0x2], $0x80, s30, s19, $0xb8;
	[tilespmem:$0x1B800] =	vst v63  }
0xcc: {  	p0 =	sne.s32 s28, s11;
	_ =	swait.ge [sflag:s12], $0x4000  }
.Ltmp2:
0xcd: {  	[sflag:s12] =	ssyncset.done $0x0;
	(pc) =	sbr.rel @p0 .LBB2_1-.Ltmp2, $4  }
0xce: {  	[sflag:s12] =	ssyncadd.s32 $0xFFFFC000  }
0xcf: {  	_ =	swait.ge [sflag:s26], $0x4000  }
0xd0: {  	[sflag:s26] =	ssyncset.done $0x0  }
0xd1: {  	[sflag:s26] =	ssyncadd.s32 $0xFFFFC000  }
0xd2: {  	_ =	sfence.sel $0x180000  }
0xd3: {  	[bflag:$0x0] =	sbarrier.arrive $0xFFFF  }
0xd4: {  	_ =	strace $0x9000004A  }
0xd5: {  	s0 =	stileid.u32;
	[bflag:$0x2] =	sbarrier.arrive $0xFFFF  }
0xd6: {  	p0 =	sne.s32 s0, $0x0;
	s0 =	rddreg [dreg:$0x3]  }
0xd7: {  	s0 =	sadd.s32 @!p0 $0x100000, s0  }
0xd8: {  	[sflag:s0] =	ssyncadd.tile.s32 @!p0 $0x1;
	_ =	shalt  }
.Lfunc_end2:
_tile_overlayer_lowered:
.L_overlay_start_2:
0xd9: {  	(tag) =	ssettag $0x2  }
0xda: {  	s0 =	rddreg [dreg:$0x0];
	s2 =	stileid.u32  }
0xdb: {  	s1 =	rddreg [dreg:$0x1];
	p0 =	sne.s32 s2, $0x0  }
0xdc: {  	s3 =	rddreg [dreg:$0x2];
	[bflag:$0x3] =	sbarrier.arrive $0xFFFF;
	s2 =	simm.s32 @!p0 $0x1C03  }
0xdd: {  	[timem:s3], [sflag:s2] =	dma.local @!p0 [hbm:s0], s1  }
0xde: {  	s0 =	simm.s32 @!p0 $0x3  }
0xdf: {  	_ =	swait.ge @!p0 [sflag:s0], s1  }
0xe0: {  	s1 =	ssub.s32 @!p0 $0x0, s1;
	[sflag:s0] =	ssyncset.done @!p0 $0x0  }
0xe1: {  	[sflag:s0] =	ssyncadd.s32 @!p0 s1  }
0xe2: {  	[bflag:$0x3] =	sbarrier.arrive $0xFFFF  }
0xe3: {  	_ =	shalt  }

</sc_bundles>
